<compile_context>
chip_gen: v7x
topology: tpu7x:2x2x1
jax: 0.10.2.dev20260603
libtpu: 0.0.44.dev20260713+nightly
codegen_flags: <defaults>
</compile_context>

<pallas_src>
import functools

import jax
import jax.numpy as jnp
from jax.experimental import pallas as pl
from jax.experimental.pallas import tpu as pltpu
from jax.experimental.pallas import tpu_sc as plsc

D_MODEL = 768
NUM_EXPERTS = 8
EXPERT_DIM = 2048
TOP_K = 2
EM_ITERS = 5
LOAD_BALANCE_WEIGHT = 0.1

GB = 256
NB = 39
P_PAD = NB * GB
NW = 32


def _router_body(x_ref, gw_ref, gb_ref, gt_ref,
                 loss_ref, c1_ref, c2_ref, pos1_ref, pos2_ref, be_ref):
    x = x_ref[...]
    T = x.shape[0]
    E = NUM_EXPERTS

    logits = jnp.dot(x, gw_ref[...], preferred_element_type=jnp.float32)
    logits = (logits + gb_ref[...]) / gt_ref[0, 0]

    m = jnp.max(logits, axis=1, keepdims=True)
    ex = jnp.exp(logits - m)
    sm = ex / jnp.sum(ex, axis=1, keepdims=True)

    iota = jax.lax.broadcasted_iota(jnp.int32, (T, E), 1)

    m1 = jnp.max(sm, axis=1, keepdims=True)
    i1 = jnp.min(jnp.where(sm == m1, iota, E), axis=1, keepdims=True)
    sm_masked = jnp.where(iota == i1, -jnp.inf, sm)
    m2 = jnp.max(sm_masked, axis=1, keepdims=True)
    i2 = jnp.min(jnp.where(sm_masked == m2, iota, E), axis=1, keepdims=True)

    oh1 = (iota == i1).astype(jnp.float32)
    oh2 = (iota == i2).astype(jnp.float32)

    usage = jnp.sum(oh1, axis=0, keepdims=True)
    actual = usage / jnp.float32(T) + 1e-8
    actual = actual / jnp.sum(actual)
    unif = jnp.float32(1.0 / E)
    kl = jnp.sum(unif * (jnp.log(unif) - jnp.log(actual)),
                 axis=1, keepdims=True)
    loss_ref[...] = LOAD_BALANCE_WEIGHT * kl

    p = jnp.full((1, E), 1.0 / E, dtype=jnp.float32)
    for _ in range(EM_ITERS):
        rs = jnp.dot(sm, p.reshape(E, 1),
                     preferred_element_type=jnp.float32)
        inv = 1.0 / (rs + 1e-8)
        counts = p * jnp.sum(sm * inv, axis=0, keepdims=True)
        p = counts / (jnp.sum(counts) + 1e-8)

    bal1 = m1 * jnp.sum(oh1 * p, axis=1, keepdims=True)
    bal2 = m2 * jnp.sum(oh2 * p, axis=1, keepdims=True)
    denom = bal1 + bal2 + 1e-8
    c1_ref[...] = bal1 / denom
    c2_ref[...] = bal2 / denom

    cnt1 = jnp.sum(oh1, axis=0, keepdims=True)
    cnt2 = jnp.sum(oh2, axis=0, keepdims=True)
    cnt = cnt1 + cnt2
    cnt_pad = jnp.ceil(cnt / GB) * GB

    r8 = jax.lax.broadcasted_iota(jnp.int32, (E, E), 0)
    c8 = jax.lax.broadcasted_iota(jnp.int32, (E, E), 1)
    poff = jnp.dot(cnt_pad, (r8 < c8).astype(jnp.float32),
                   preferred_element_type=jnp.float32)

    CH = 512
    tri = (jax.lax.broadcasted_iota(jnp.int32, (CH, CH), 0)
           >= jax.lax.broadcasted_iota(jnp.int32, (CH, CH), 1)
           ).astype(jnp.float32)

    ohj = jnp.concatenate([oh1, oh2], axis=1)
    base = jnp.zeros((1, 2 * E), jnp.float32)
    p1, p2 = [], []
    for ci in range(T // CH):
        chunk = ohj[ci * CH:(ci + 1) * CH]
        incl = jnp.dot(tri, chunk, preferred_element_type=jnp.float32) + base
        sel = chunk * incl
        p1.append(jnp.sum(sel[:, :E], axis=1, keepdims=True) - 1.0)
        p2.append(jnp.sum(sel[:, E:], axis=1, keepdims=True) - 1.0)
        base = base + jnp.sum(chunk, axis=0, keepdims=True)

    r1 = jnp.concatenate(p1, axis=0)
    r2 = (jnp.concatenate(p2, axis=0)
          + jnp.sum(oh2 * cnt1, axis=1, keepdims=True))
    pos1 = jnp.sum(oh1 * poff, axis=1, keepdims=True) + r1
    pos2 = jnp.sum(oh2 * poff, axis=1, keepdims=True) + r2
    pos1_ref[...] = pos1.astype(jnp.int32)
    pos2_ref[...] = pos2.astype(jnp.int32)

    bidx = jax.lax.broadcasted_iota(jnp.int32, (128, 1), 0)
    bstart = (bidx * GB).astype(jnp.float32)
    nle = jnp.sum((poff <= bstart).astype(jnp.int32), axis=1, keepdims=True)
    be = jnp.clip(nle - 1, 0, E - 1)

    be_prev = jnp.concatenate(
        [jnp.full((1, 1), -1, jnp.int32), be[:-1]], axis=0)
    sw = (be != be_prev).astype(jnp.float32)
    tri128 = (jax.lax.broadcasted_iota(jnp.int32, (128, 128), 0)
              >= jax.lax.broadcasted_iota(jnp.int32, (128, 128), 1)
              ).astype(jnp.float32)
    ordn = jnp.dot(tri128, sw, preferred_element_type=jnp.float32)
    par = (ordn.astype(jnp.int32) - 1) & 1
    swr = jnp.transpose(sw)
    idxr = jax.lax.broadcasted_iota(jnp.int32, (1, 128), 1)
    cand = jnp.where((idxr > bidx) & (swr > 0) & (idxr < NB), idxr, 128)
    nxtpos = jnp.min(cand, axis=1, keepdims=True)
    ber = jnp.transpose(be.astype(jnp.float32))
    nxt_val = jnp.sum(jnp.where(idxr == nxtpos, ber, 0.0),
                      axis=1, keepdims=True).astype(jnp.int32)
    nxt = jnp.where(nxtpos < NB, nxt_val, E)
    be_ref[...] = jnp.concatenate(
        [be, sw.astype(jnp.int32), par, nxt], axis=1)


def _router(x_flat, gate_w, gate_b, gate_temp):
    T = x_flat.shape[0]
    E = NUM_EXPERTS
    return pl.pallas_call(
        _router_body,
        out_shape=(
            jax.ShapeDtypeStruct((1, 1), jnp.float32),
            jax.ShapeDtypeStruct((T, 1), jnp.float32),
            jax.ShapeDtypeStruct((T, 1), jnp.float32),
            jax.ShapeDtypeStruct((T, 1), jnp.int32),
            jax.ShapeDtypeStruct((T, 1), jnp.int32),
            jax.ShapeDtypeStruct((128, 4), jnp.int32),
        ),
    )(x_flat, gate_w, gate_b.reshape(1, E), gate_temp.reshape(1, 1))


def _sc_scatter(x_flat, pos1, pos2):
    T, D = x_flat.shape
    TPW = T // NW
    mesh = plsc.VectorSubcoreMesh(core_axis_name="c", subcore_axis_name="s",
                                  num_cores=2, num_subcores=16)

    @functools.partial(
        pl.kernel, mesh=mesh,
        out_type=jax.ShapeDtypeStruct((P_PAD, D), jnp.float32),
        scratch_types=[
            pltpu.VMEM((TPW,), jnp.int32),
            pltpu.VMEM((TPW,), jnp.int32),
            pltpu.VMEM((TPW, D), jnp.float32),
            pltpu.SemaphoreType.DMA,
            pltpu.SemaphoreType.DMA,
        ],
    )
    def scatter_kernel(x_hbm, pos1_hbm, pos2_hbm, xs_hbm,
                       idx1_v, idx2_v, rows_v, sem1, sem2):
        wid = jax.lax.axis_index("s") * 2 + jax.lax.axis_index("c")
        base = wid * TPW
        pltpu.sync_copy(pos1_hbm.at[pl.ds(base, TPW)], idx1_v)
        pltpu.sync_copy(pos2_hbm.at[pl.ds(base, TPW)], idx2_v)
        pltpu.sync_copy(x_hbm.at[pl.ds(base, TPW)], rows_v)
        cp1 = pltpu.async_copy(rows_v, xs_hbm.at[idx1_v], sem1)
        cp2 = pltpu.async_copy(rows_v, xs_hbm.at[idx2_v], sem2)
        cp1.wait()
        cp2.wait()

    return scatter_kernel(x_flat, pos1, pos2)


def _sc_gather(y, pos1, pos2):
    T = pos1.shape[0]
    D = y.shape[1]
    TPW = T // NW
    mesh = plsc.VectorSubcoreMesh(core_axis_name="c", subcore_axis_name="s",
                                  num_cores=2, num_subcores=16)

    @functools.partial(
        pl.kernel, mesh=mesh,
        out_type=(
            jax.ShapeDtypeStruct((T, D), jnp.float32),
            jax.ShapeDtypeStruct((T, D), jnp.float32),
        ),
        scratch_types=[
            pltpu.VMEM((TPW,), jnp.int32),
            pltpu.VMEM((TPW, D), jnp.float32),
            pltpu.SemaphoreType.DMA,
        ],
    )
    def gather_kernel(y_hbm, pos1_hbm, pos2_hbm, g1_hbm, g2_hbm,
                      idx_v, rows_v, sem):
        wid = jax.lax.axis_index("s") * 2 + jax.lax.axis_index("c")
        base = wid * TPW
        pltpu.sync_copy(pos1_hbm.at[pl.ds(base, TPW)], idx_v)
        pltpu.async_copy(y_hbm.at[idx_v], rows_v, sem).wait()
        pltpu.sync_copy(rows_v, g1_hbm.at[pl.ds(base, TPW)])
        pltpu.sync_copy(pos2_hbm.at[pl.ds(base, TPW)], idx_v)
        pltpu.async_copy(y_hbm.at[idx_v], rows_v, sem).wait()
        pltpu.sync_copy(rows_v, g2_hbm.at[pl.ds(base, TPW)])

    return gather_kernel(y, pos1, pos2)


def _group_body(be_ref, fb_ref, par_ref, nxt_ref, xs_ref,
                w1_ref, w2_ref, b1_ref, b2_ref, y_ref,
                wbuf1, wbuf2, sem1, sem2):
    b = pl.program_id(0)
    e = be_ref[b]
    par = par_ref[b]

    @pl.when(b == 0)
    def _():
        pltpu.make_async_copy(w1_ref.at[e], wbuf1.at[par], sem1.at[par]).start()
        pltpu.make_async_copy(w2_ref.at[e], wbuf2.at[par], sem2.at[par]).start()

    @pl.when(fb_ref[b] == 1)
    def _():
        nxt = nxt_ref[b]

        @pl.when(nxt < NUM_EXPERTS)
        def _():
            opar = 1 - par
            pltpu.make_async_copy(w1_ref.at[nxt], wbuf1.at[opar],
                                  sem1.at[opar]).start()
            pltpu.make_async_copy(w2_ref.at[nxt], wbuf2.at[opar],
                                  sem2.at[opar]).start()

        pltpu.make_async_copy(w1_ref.at[e], wbuf1.at[par], sem1.at[par]).wait()
        pltpu.make_async_copy(w2_ref.at[e], wbuf2.at[par], sem2.at[par]).wait()

    h = jnp.maximum(
        jnp.dot(xs_ref[...], wbuf1[par], preferred_element_type=jnp.float32)
        + b1_ref[0], 0.0)
    y_ref[...] = (jnp.dot(h, wbuf2[par], preferred_element_type=jnp.float32)
                  + b2_ref[0])


def _grouped_ffn(be, fb, par, nxt, xs, w1, b1, w2, b2):
    D, F, E = D_MODEL, EXPERT_DIM, NUM_EXPERTS
    grid_spec = pltpu.PrefetchScalarGridSpec(
        num_scalar_prefetch=4,
        grid=(NB,),
        in_specs=[
            pl.BlockSpec((GB, D), lambda b, *_: (b, 0)),
            pl.BlockSpec(memory_space=pl.ANY),
            pl.BlockSpec(memory_space=pl.ANY),
            pl.BlockSpec((1, 1, F), lambda b, be, *_: (be[b], 0, 0)),
            pl.BlockSpec((1, 1, D), lambda b, be, *_: (be[b], 0, 0)),
        ],
        out_specs=pl.BlockSpec((GB, D), lambda b, *_: (b, 0)),
        scratch_shapes=[
            pltpu.VMEM((2, D, F), jnp.float32),
            pltpu.VMEM((2, F, D), jnp.float32),
            pltpu.SemaphoreType.DMA((2,)),
            pltpu.SemaphoreType.DMA((2,)),
        ],
    )
    return pl.pallas_call(
        _group_body,
        grid_spec=grid_spec,
        out_shape=jax.ShapeDtypeStruct((P_PAD, D), jnp.float32),
    )(be, fb, par, nxt, xs, w1, w2, b1.reshape(E, 1, F), b2.reshape(E, 1, D))


def _combine_body(g1_ref, g2_ref, c1_ref, c2_ref, x_ref,
                  ws1_ref, bs1_ref, ws2_ref, bs2_ref, out_ref):
    hs = jnp.maximum(
        jnp.dot(x_ref[...], ws1_ref[...], preferred_element_type=jnp.float32)
        + bs1_ref[...], 0.0)
    shared = (jnp.dot(hs, ws2_ref[...], preferred_element_type=jnp.float32)
              + bs2_ref[...])
    out_ref[...] = (c1_ref[...] * g1_ref[...] + c2_ref[...] * g2_ref[...]
                    + shared)


def _combine(g1, g2, c1, c2, x_flat, ws1, bs1, ws2, bs2):
    T, D = x_flat.shape
    F = EXPERT_DIM
    TB = 512
    return pl.pallas_call(
        _combine_body,
        grid=(T // TB,),
        in_specs=[
            pl.BlockSpec((TB, D), lambda t: (t, 0)),
            pl.BlockSpec((TB, D), lambda t: (t, 0)),
            pl.BlockSpec((TB, 1), lambda t: (t, 0)),
            pl.BlockSpec((TB, 1), lambda t: (t, 0)),
            pl.BlockSpec((TB, D), lambda t: (t, 0)),
            pl.BlockSpec((D, F), lambda t: (0, 0)),
            pl.BlockSpec((1, F), lambda t: (0, 0)),
            pl.BlockSpec((F, D), lambda t: (0, 0)),
            pl.BlockSpec((1, D), lambda t: (0, 0)),
        ],
        out_specs=pl.BlockSpec((TB, D), lambda t: (t, 0)),
        out_shape=jax.ShapeDtypeStruct((T, D), jnp.float32),
    )(g1, g2, c1, c2, x_flat, ws1, bs1.reshape(1, F), ws2, bs2.reshape(1, D))


@jax.jit
def kernel(x, gate_w, gate_b, gate_temp, w1, b1, w2, b2, ws1, bs1, ws2, bs2):
    B, S, D = x.shape
    T = B * S
    x_flat = x.reshape(T, D)

    loss, c1, c2, pos1, pos2, pk = _router(x_flat, gate_w, gate_b, gate_temp)
    pos1f = pos1.reshape(T)
    pos2f = pos2.reshape(T)
    be_nb = pk[:NB, 0]
    fb = pk[:NB, 1]
    par = pk[:NB, 2]
    nxt = pk[:NB, 3]

    xs = _sc_scatter(x_flat, pos1f, pos2f)
    y = _grouped_ffn(be_nb, fb, par, nxt, xs, w1, b1, w2, b2)
    g1, g2 = _sc_gather(y, pos1f, pos2f)
    out = _combine(g1, g2, c1, c2, x_flat, ws1, bs1, ws2, bs2)

    return out.reshape(B, S, D), loss.reshape(())

# --- scband reference (transcript-rebuilt; emitter-appended) ---
"""Pipeline reference for scband-self-balancing-experts-v3-4252017623357 (READ-ONLY COPY).

The authoritative reference and input builder live on the scoring server;
editing this copy changes nothing except your own understanding.
"""

import jax, jax.numpy as jnp
import numpy as np

D_MODEL = 768
NUM_EXPERTS = 8
EXPERT_DIM = 2048
TOP_K = 2
BATCH = 2
SEQ = 2048
EM_ITERS = 5
LOAD_BALANCE_WEIGHT = 0.1


def setup_inputs(seed: int = 0) -> dict:
    key = jax.random.key(seed)
    ks = jax.random.split(key, 12)
    s = 0.02
    return {
        "x": jax.random.normal(ks[0], (BATCH, SEQ, D_MODEL), dtype=jnp.float32),
        "gate_w": jax.random.normal(ks[1], (D_MODEL, NUM_EXPERTS), dtype=jnp.float32) * s,
        "gate_b": jnp.zeros((NUM_EXPERTS,), dtype=jnp.float32),
        "gate_temp": jnp.ones((1,), dtype=jnp.float32),
        "w1": jax.random.normal(ks[2], (NUM_EXPERTS, D_MODEL, EXPERT_DIM), dtype=jnp.float32) * s,
        "b1": jnp.zeros((NUM_EXPERTS, EXPERT_DIM), dtype=jnp.float32),
        "w2": jax.random.normal(ks[3], (NUM_EXPERTS, EXPERT_DIM, D_MODEL), dtype=jnp.float32) * s,
        "b2": jnp.zeros((NUM_EXPERTS, D_MODEL), dtype=jnp.float32),
        "ws1": jax.random.normal(ks[4], (D_MODEL, EXPERT_DIM), dtype=jnp.float32) * s,
        "bs1": jnp.zeros((EXPERT_DIM,), dtype=jnp.float32),
        "ws2": jax.random.normal(ks[5], (EXPERT_DIM, D_MODEL), dtype=jnp.float32) * s,
        "bs2": jnp.zeros((D_MODEL,), dtype=jnp.float32),
    }


def reference(x, gate_w, gate_b, gate_temp, w1, b1, w2, b2, ws1, bs1, ws2, bs2):
    B, S, D = x.shape
    x_flat = x.reshape(-1, D)  # (T, D)
    T = x_flat.shape[0]

    # --- SelfBalancingExpertRouter ---
    gate_logits = x_flat @ gate_w + gate_b  # (T, E)
    tempered_logits = gate_logits / gate_temp
    expert_weights = jax.nn.softmax(tempered_logits, axis=-1)
    top_k_weights, top_k_indices = jax.lax.top_k(expert_weights, TOP_K)
    top_k_weights = top_k_weights / (top_k_weights.sum(axis=-1, keepdims=True) + 1e-8)

    # load balance loss (EM-style KL to uniform, single batch of counts)
    first_expert = top_k_indices[:, 0]
    expert_usage = jnp.bincount(first_expert, length=NUM_EXPERTS).astype(jnp.float32)
    actual_dist = expert_usage / jnp.float32(T)
    uniform_dist = jnp.ones((NUM_EXPERTS,), dtype=jnp.float32) / NUM_EXPERTS
    actual_dist = actual_dist + 1e-8
    actual_dist = actual_dist / actual_dist.sum()
    kl_div = jnp.sum(uniform_dist * (jnp.log(uniform_dist) - jnp.log(actual_dist)))
    load_balance_loss = LOAD_BALANCE_WEIGHT * kl_div

    # --- EMExpertBalancer.balance_expert_load on tempered logits ---
    scores = jax.nn.softmax(tempered_logits, axis=-1)
    p = jnp.ones((NUM_EXPERTS,), dtype=jnp.float32) / NUM_EXPERTS
    for _ in range(EM_ITERS):
        ea = scores * p[None, :]
        ea = ea / (ea.sum(axis=-1, keepdims=True) + 1e-8)
        counts = ea.sum(axis=0)
        p = counts / (counts.sum() + 1e-8)
    balanced_scores = scores * p[None, :]

    # combine weights: EM-balanced scores gathered at top-k experts, renormalized
    bal_w = jnp.take_along_axis(balanced_scores, top_k_indices, axis=-1)  # (T, K)
    bal_w = bal_w / (bal_w.sum(axis=-1, keepdims=True) + 1e-8)
    combine_w = jnp.sum(jax.nn.one_hot(top_k_indices, NUM_EXPERTS, dtype=x.dtype) * bal_w[..., None], axis=1)  # (T, E)

    # --- experts (dense reference: run every expert on every token, mask-combine) ---
    h = jax.nn.relu(jnp.einsum('td,edf->etf', x_flat, w1) + b1[:, None, :])  # (E, T, F)
    expert_out = jnp.einsum('etf,efd->etd', h, w2) + b2[:, None, :]          # (E, T, D)
    moe_out = jnp.einsum('te,etd->td', combine_w, expert_out)                 # (T, D)

    # --- shared expert ---
    shared_out = jax.nn.relu(x_flat @ ws1 + bs1) @ ws2 + bs2

    out = (moe_out + shared_out).reshape(B, S, D)
    return out, load_balance_loss

if __name__ == "__main__":
    import jax
    _d = setup_inputs()
    print(jax.jit(kernel)(*tuple(_d.values())))

</pallas_src>

<mosaic_0001>
#map = affine_map<(d0, d1) -> (0, 0)>
#map1 = affine_map<(d0, d1) -> (0)>
module attributes {stable_mosaic.version = 14 : i64} {
  func.func @gather_kernel(%arg0: i32, %arg1: i32, %arg2: memref<9984x768xf32, #tpu.memory_space<hbm>>, %arg3: memref<4096xi32, #tpu.memory_space<hbm>>, %arg4: memref<4096xi32, #tpu.memory_space<hbm>>, %arg5: memref<4096x768xf32, #tpu.memory_space<hbm>>, %arg6: memref<4096x768xf32, #tpu.memory_space<hbm>>, %arg7: memref<128xi32, #tpu.memory_space<vmem>>, %arg8: memref<128x768xf32, #tpu.memory_space<vmem>>, %arg9: memref<!tpu.dma_semaphore, #tpu.memory_space<semaphore_mem>>) attributes {dimension_semantics = [#tpu.dimension_semantics<core_parallel>, #tpu.dimension_semantics<subcore_parallel>], iteration_bounds = array<i64: 2, 16>, scalar_prefetch = 0 : i64, scratch_operands = 3 : i64, tpu.core_type = #tpu.core_type<sc_vector_subcore>, window_params = [{transform_indices = #map}, {transform_indices = #map1}, {transform_indices = #map1}, {transform_indices = #map}, {transform_indices = #map}]} {
    %mul3A = arith.constant 2 : i32
    %mul3A_0 = arith.muli %arg1, %mul3A : i32
    %add3A = arith.addi %mul3A_0, %arg0 : i32
    %mul3A_1 = arith.constant 128 : i32
    %mul3A_2 = arith.muli %add3A, %mul3A_1 : i32
    "tpu.region"() ({
      %run_scoped3A = tpu.sem_alloc : memref<!tpu.dma_semaphore, #tpu.memory_space<semaphore_mem>>
      %dma_start3A_13 = tpu.memref_slice %arg3[%mul3A_2] : memref<4096xi32, #tpu.memory_space<hbm>> -> memref<128xi32, #tpu.memory_space<hbm>>
      %dma_start3A_14 = tpu.memref_slice %arg3[%mul3A_2] : memref<4096xi32, #tpu.memory_space<hbm>> -> memref<128xi32, #tpu.memory_space<hbm>>
      tpu.enqueue_dma source(%dma_start3A_14 : memref<128xi32, #tpu.memory_space<hbm>>) target(%arg7 : memref<128xi32, #tpu.memory_space<vmem>>) target_semaphore(%run_scoped3A : memref<!tpu.dma_semaphore, #tpu.memory_space<semaphore_mem>>)
      %dma_wait3A_15 = tpu.memref_slice %arg3[%mul3A_2] : memref<4096xi32, #tpu.memory_space<hbm>> -> memref<128xi32, #tpu.memory_space<hbm>>
      %dma_wait3A_16 = tpu.memref_slice %arg3[%mul3A_2] : memref<4096xi32, #tpu.memory_space<hbm>> -> memref<128xi32, #tpu.memory_space<hbm>>
      tpu.wait_dma2 semaphore(%run_scoped3A : memref<!tpu.dma_semaphore, #tpu.memory_space<semaphore_mem>>) src(%dma_wait3A_16 : memref<128xi32, #tpu.memory_space<hbm>>) dst(%arg7 : memref<128xi32, #tpu.memory_space<vmem>>)
      tpu.yield
    }) : () -> ()
    %dma_start3A = arith.constant 0 : i32
    %dma_start3A_3 = arith.constant 0 : i32
    %dma_start3A_4 = tpu.memref_slice %arg2[%dma_start3A, %dma_start3A_3] : memref<9984x768xf32, #tpu.memory_space<hbm>> -> memref<9984x768xf32, #tpu.memory_space<hbm>>
    tpu.enqueue_indirect_dma source(%dma_start3A_4 : memref<9984x768xf32, #tpu.memory_space<hbm>>) target(%arg8 : memref<128x768xf32, #tpu.memory_space<vmem>>) offsets(%arg7 : memref<128xi32, #tpu.memory_space<vmem>>) semaphore(%arg9 : memref<!tpu.dma_semaphore, #tpu.memory_space<semaphore_mem>>)
    %dma_wait3A = arith.constant 0 : i32
    %dma_wait3A_5 = arith.constant 0 : i32
    %dma_wait3A_6 = tpu.memref_slice %arg2[%dma_wait3A, %dma_wait3A_5] : memref<9984x768xf32, #tpu.memory_space<hbm>> -> memref<9984x768xf32, #tpu.memory_space<hbm>>
    tpu.wait_indirect_dma semaphore(%arg9 : memref<!tpu.dma_semaphore, #tpu.memory_space<semaphore_mem>>) src(%dma_wait3A_6 : memref<9984x768xf32, #tpu.memory_space<hbm>>) dst(%arg8 : memref<128x768xf32, #tpu.memory_space<vmem>>)
    "tpu.region"() ({
      %run_scoped3A = tpu.sem_alloc : memref<!tpu.dma_semaphore, #tpu.memory_space<semaphore_mem>>
      %dma_start3A_13 = arith.constant 0 : i32
      %dma_start3A_14 = tpu.memref_slice %arg5[%mul3A_2, %dma_start3A_13] : memref<4096x768xf32, #tpu.memory_space<hbm>> -> memref<128x768xf32, #tpu.memory_space<hbm>>
      %dma_start3A_15 = arith.constant 0 : i32
      %dma_start3A_16 = tpu.memref_slice %arg5[%mul3A_2, %dma_start3A_15] : memref<4096x768xf32, #tpu.memory_space<hbm>> -> memref<128x768xf32, #tpu.memory_space<hbm>>
      tpu.enqueue_dma source(%arg8 : memref<128x768xf32, #tpu.memory_space<vmem>>) target(%dma_start3A_16 : memref<128x768xf32, #tpu.memory_space<hbm>>) target_semaphore(%run_scoped3A : memref<!tpu.dma_semaphore, #tpu.memory_space<semaphore_mem>>)
      %dma_wait3A_17 = arith.constant 0 : i32
      %dma_wait3A_18 = tpu.memref_slice %arg5[%mul3A_2, %dma_wait3A_17] : memref<4096x768xf32, #tpu.memory_space<hbm>> -> memref<128x768xf32, #tpu.memory_space<hbm>>
      %dma_wait3A_19 = arith.constant 0 : i32
      %dma_wait3A_20 = tpu.memref_slice %arg5[%mul3A_2, %dma_wait3A_19] : memref<4096x768xf32, #tpu.memory_space<hbm>> -> memref<128x768xf32, #tpu.memory_space<hbm>>
      tpu.wait_dma2 semaphore(%run_scoped3A : memref<!tpu.dma_semaphore, #tpu.memory_space<semaphore_mem>>) src(%arg8 : memref<128x768xf32, #tpu.memory_space<vmem>>) dst(%dma_wait3A_20 : memref<128x768xf32, #tpu.memory_space<hbm>>)
      tpu.yield
    }) : () -> ()
    "tpu.region"() ({
      %run_scoped3A = tpu.sem_alloc : memref<!tpu.dma_semaphore, #tpu.memory_space<semaphore_mem>>
      %dma_start3A_13 = tpu.memref_slice %arg4[%mul3A_2] : memref<4096xi32, #tpu.memory_space<hbm>> -> memref<128xi32, #tpu.memory_space<hbm>>
      %dma_start3A_14 = tpu.memref_slice %arg4[%mul3A_2] : memref<4096xi32, #tpu.memory_space<hbm>> -> memref<128xi32, #tpu.memory_space<hbm>>
      tpu.enqueue_dma source(%dma_start3A_14 : memref<128xi32, #tpu.memory_space<hbm>>) target(%arg7 : memref<128xi32, #tpu.memory_space<vmem>>) target_semaphore(%run_scoped3A : memref<!tpu.dma_semaphore, #tpu.memory_space<semaphore_mem>>)
      %dma_wait3A_15 = tpu.memref_slice %arg4[%mul3A_2] : memref<4096xi32, #tpu.memory_space<hbm>> -> memref<128xi32, #tpu.memory_space<hbm>>
      %dma_wait3A_16 = tpu.memref_slice %arg4[%mul3A_2] : memref<4096xi32, #tpu.memory_space<hbm>> -> memref<128xi32, #tpu.memory_space<hbm>>
      tpu.wait_dma2 semaphore(%run_scoped3A : memref<!tpu.dma_semaphore, #tpu.memory_space<semaphore_mem>>) src(%dma_wait3A_16 : memref<128xi32, #tpu.memory_space<hbm>>) dst(%arg7 : memref<128xi32, #tpu.memory_space<vmem>>)
      tpu.yield
    }) : () -> ()
    %dma_start3A_7 = arith.constant 0 : i32
    %dma_start3A_8 = arith.constant 0 : i32
    %dma_start3A_9 = tpu.memref_slice %arg2[%dma_start3A_7, %dma_start3A_8] : memref<9984x768xf32, #tpu.memory_space<hbm>> -> memref<9984x768xf32, #tpu.memory_space<hbm>>
    tpu.enqueue_indirect_dma source(%dma_start3A_9 : memref<9984x768xf32, #tpu.memory_space<hbm>>) target(%arg8 : memref<128x768xf32, #tpu.memory_space<vmem>>) offsets(%arg7 : memref<128xi32, #tpu.memory_space<vmem>>) semaphore(%arg9 : memref<!tpu.dma_semaphore, #tpu.memory_space<semaphore_mem>>)
    %dma_wait3A_10 = arith.constant 0 : i32
    %dma_wait3A_11 = arith.constant 0 : i32
    %dma_wait3A_12 = tpu.memref_slice %arg2[%dma_wait3A_10, %dma_wait3A_11] : memref<9984x768xf32, #tpu.memory_space<hbm>> -> memref<9984x768xf32, #tpu.memory_space<hbm>>
    tpu.wait_indirect_dma semaphore(%arg9 : memref<!tpu.dma_semaphore, #tpu.memory_space<semaphore_mem>>) src(%dma_wait3A_12 : memref<9984x768xf32, #tpu.memory_space<hbm>>) dst(%arg8 : memref<128x768xf32, #tpu.memory_space<vmem>>)
    "tpu.region"() ({
      %run_scoped3A = tpu.sem_alloc : memref<!tpu.dma_semaphore, #tpu.memory_space<semaphore_mem>>
      %dma_start3A_13 = arith.constant 0 : i32
      %dma_start3A_14 = tpu.memref_slice %arg6[%mul3A_2, %dma_start3A_13] : memref<4096x768xf32, #tpu.memory_space<hbm>> -> memref<128x768xf32, #tpu.memory_space<hbm>>
      %dma_start3A_15 = arith.constant 0 : i32
      %dma_start3A_16 = tpu.memref_slice %arg6[%mul3A_2, %dma_start3A_15] : memref<4096x768xf32, #tpu.memory_space<hbm>> -> memref<128x768xf32, #tpu.memory_space<hbm>>
      tpu.enqueue_dma source(%arg8 : memref<128x768xf32, #tpu.memory_space<vmem>>) target(%dma_start3A_16 : memref<128x768xf32, #tpu.memory_space<hbm>>) target_semaphore(%run_scoped3A : memref<!tpu.dma_semaphore, #tpu.memory_space<semaphore_mem>>)
      %dma_wait3A_17 = arith.constant 0 : i32
      %dma_wait3A_18 = tpu.memref_slice %arg6[%mul3A_2, %dma_wait3A_17] : memref<4096x768xf32, #tpu.memory_space<hbm>> -> memref<128x768xf32, #tpu.memory_space<hbm>>
      %dma_wait3A_19 = arith.constant 0 : i32
      %dma_wait3A_20 = tpu.memref_slice %arg6[%mul3A_2, %dma_wait3A_19] : memref<4096x768xf32, #tpu.memory_space<hbm>> -> memref<128x768xf32, #tpu.memory_space<hbm>>
      tpu.wait_dma2 semaphore(%run_scoped3A : memref<!tpu.dma_semaphore, #tpu.memory_space<semaphore_mem>>) src(%arg8 : memref<128x768xf32, #tpu.memory_space<vmem>>) dst(%dma_wait3A_20 : memref<128x768xf32, #tpu.memory_space<hbm>>)
      tpu.yield
    }) : () -> ()
    return
  }
}

#map = affine_map<(d0, d1) -> (0, 0)>
#map1 = affine_map<(d0, d1) -> (0)>
module attributes {stable_mosaic.version = 14 : i64} {
  func.func @scatter_kernel(%arg0: i32, %arg1: i32, %arg2: memref<4096x768xf32, #tpu.memory_space<hbm>>, %arg3: memref<4096xi32, #tpu.memory_space<hbm>>, %arg4: memref<4096xi32, #tpu.memory_space<hbm>>, %arg5: memref<9984x768xf32, #tpu.memory_space<hbm>>, %arg6: memref<128xi32, #tpu.memory_space<vmem>>, %arg7: memref<128xi32, #tpu.memory_space<vmem>>, %arg8: memref<128x768xf32, #tpu.memory_space<vmem>>, %arg9: memref<!tpu.dma_semaphore, #tpu.memory_space<semaphore_mem>>, %arg10: memref<!tpu.dma_semaphore, #tpu.memory_space<semaphore_mem>>) attributes {dimension_semantics = [#tpu.dimension_semantics<core_parallel>, #tpu.dimension_semantics<subcore_parallel>], iteration_bounds = array<i64: 2, 16>, scalar_prefetch = 0 : i64, scratch_operands = 5 : i64, tpu.core_type = #tpu.core_type<sc_vector_subcore>, window_params = [{transform_indices = #map}, {transform_indices = #map1}, {transform_indices = #map1}, {transform_indices = #map}]} {
    %mul3A = arith.constant 2 : i32
    %mul3A_0 = arith.muli %arg1, %mul3A : i32
    %add3A = arith.addi %mul3A_0, %arg0 : i32
    %mul3A_1 = arith.constant 128 : i32
    %mul3A_2 = arith.muli %add3A, %mul3A_1 : i32
    "tpu.region"() ({
      %run_scoped3A = tpu.sem_alloc : memref<!tpu.dma_semaphore, #tpu.memory_space<semaphore_mem>>
      %dma_start3A_13 = tpu.memref_slice %arg3[%mul3A_2] : memref<4096xi32, #tpu.memory_space<hbm>> -> memref<128xi32, #tpu.memory_space<hbm>>
      %dma_start3A_14 = tpu.memref_slice %arg3[%mul3A_2] : memref<4096xi32, #tpu.memory_space<hbm>> -> memref<128xi32, #tpu.memory_space<hbm>>
      tpu.enqueue_dma source(%dma_start3A_14 : memref<128xi32, #tpu.memory_space<hbm>>) target(%arg6 : memref<128xi32, #tpu.memory_space<vmem>>) target_semaphore(%run_scoped3A : memref<!tpu.dma_semaphore, #tpu.memory_space<semaphore_mem>>)
      %dma_wait3A_15 = tpu.memref_slice %arg3[%mul3A_2] : memref<4096xi32, #tpu.memory_space<hbm>> -> memref<128xi32, #tpu.memory_space<hbm>>
      %dma_wait3A_16 = tpu.memref_slice %arg3[%mul3A_2] : memref<4096xi32, #tpu.memory_space<hbm>> -> memref<128xi32, #tpu.memory_space<hbm>>
      tpu.wait_dma2 semaphore(%run_scoped3A : memref<!tpu.dma_semaphore, #tpu.memory_space<semaphore_mem>>) src(%dma_wait3A_16 : memref<128xi32, #tpu.memory_space<hbm>>) dst(%arg6 : memref<128xi32, #tpu.memory_space<vmem>>)
      tpu.yield
    }) : () -> ()
    "tpu.region"() ({
      %run_scoped3A = tpu.sem_alloc : memref<!tpu.dma_semaphore, #tpu.memory_space<semaphore_mem>>
      %dma_start3A_13 = tpu.memref_slice %arg4[%mul3A_2] : memref<4096xi32, #tpu.memory_space<hbm>> -> memref<128xi32, #tpu.memory_space<hbm>>
      %dma_start3A_14 = tpu.memref_slice %arg4[%mul3A_2] : memref<4096xi32, #tpu.memory_space<hbm>> -> memref<128xi32, #tpu.memory_space<hbm>>
      tpu.enqueue_dma source(%dma_start3A_14 : memref<128xi32, #tpu.memory_space<hbm>>) target(%arg7 : memref<128xi32, #tpu.memory_space<vmem>>) target_semaphore(%run_scoped3A : memref<!tpu.dma_semaphore, #tpu.memory_space<semaphore_mem>>)
      %dma_wait3A_15 = tpu.memref_slice %arg4[%mul3A_2] : memref<4096xi32, #tpu.memory_space<hbm>> -> memref<128xi32, #tpu.memory_space<hbm>>
      %dma_wait3A_16 = tpu.memref_slice %arg4[%mul3A_2] : memref<4096xi32, #tpu.memory_space<hbm>> -> memref<128xi32, #tpu.memory_space<hbm>>
      tpu.wait_dma2 semaphore(%run_scoped3A : memref<!tpu.dma_semaphore, #tpu.memory_space<semaphore_mem>>) src(%dma_wait3A_16 : memref<128xi32, #tpu.memory_space<hbm>>) dst(%arg7 : memref<128xi32, #tpu.memory_space<vmem>>)
      tpu.yield
    }) : () -> ()
    "tpu.region"() ({
      %run_scoped3A = tpu.sem_alloc : memref<!tpu.dma_semaphore, #tpu.memory_space<semaphore_mem>>
      %dma_start3A_13 = arith.constant 0 : i32
      %dma_start3A_14 = tpu.memref_slice %arg2[%mul3A_2, %dma_start3A_13] : memref<4096x768xf32, #tpu.memory_space<hbm>> -> memref<128x768xf32, #tpu.memory_space<hbm>>
      %dma_start3A_15 = arith.constant 0 : i32
      %dma_start3A_16 = tpu.memref_slice %arg2[%mul3A_2, %dma_start3A_15] : memref<4096x768xf32, #tpu.memory_space<hbm>> -> memref<128x768xf32, #tpu.memory_space<hbm>>
      tpu.enqueue_dma source(%dma_start3A_16 : memref<128x768xf32, #tpu.memory_space<hbm>>) target(%arg8 : memref<128x768xf32, #tpu.memory_space<vmem>>) target_semaphore(%run_scoped3A : memref<!tpu.dma_semaphore, #tpu.memory_space<semaphore_mem>>)
      %dma_wait3A_17 = arith.constant 0 : i32
      %dma_wait3A_18 = tpu.memref_slice %arg2[%mul3A_2, %dma_wait3A_17] : memref<4096x768xf32, #tpu.memory_space<hbm>> -> memref<128x768xf32, #tpu.memory_space<hbm>>
      %dma_wait3A_19 = arith.constant 0 : i32
      %dma_wait3A_20 = tpu.memref_slice %arg2[%mul3A_2, %dma_wait3A_19] : memref<4096x768xf32, #tpu.memory_space<hbm>> -> memref<128x768xf32, #tpu.memory_space<hbm>>
      tpu.wait_dma2 semaphore(%run_scoped3A : memref<!tpu.dma_semaphore, #tpu.memory_space<semaphore_mem>>) src(%dma_wait3A_20 : memref<128x768xf32, #tpu.memory_space<hbm>>) dst(%arg8 : memref<128x768xf32, #tpu.memory_space<vmem>>)
      tpu.yield
    }) : () -> ()
    %dma_start3A = arith.constant 0 : i32
    %dma_start3A_3 = arith.constant 0 : i32
    %dma_start3A_4 = tpu.memref_slice %arg5[%dma_start3A, %dma_start3A_3] : memref<9984x768xf32, #tpu.memory_space<hbm>> -> memref<9984x768xf32, #tpu.memory_space<hbm>>
    tpu.enqueue_indirect_dma source(%arg8 : memref<128x768xf32, #tpu.memory_space<vmem>>) target(%dma_start3A_4 : memref<9984x768xf32, #tpu.memory_space<hbm>>) offsets(%arg6 : memref<128xi32, #tpu.memory_space<vmem>>) semaphore(%arg9 : memref<!tpu.dma_semaphore, #tpu.memory_space<semaphore_mem>>)
    %dma_start3A_5 = arith.constant 0 : i32
    %dma_start3A_6 = arith.constant 0 : i32
    %dma_start3A_7 = tpu.memref_slice %arg5[%dma_start3A_5, %dma_start3A_6] : memref<9984x768xf32, #tpu.memory_space<hbm>> -> memref<9984x768xf32, #tpu.memory_space<hbm>>
    tpu.enqueue_indirect_dma source(%arg8 : memref<128x768xf32, #tpu.memory_space<vmem>>) target(%dma_start3A_7 : memref<9984x768xf32, #tpu.memory_space<hbm>>) offsets(%arg7 : memref<128xi32, #tpu.memory_space<vmem>>) semaphore(%arg10 : memref<!tpu.dma_semaphore, #tpu.memory_space<semaphore_mem>>)
    %dma_wait3A = arith.constant 0 : i32
    %dma_wait3A_8 = arith.constant 0 : i32
    %dma_wait3A_9 = tpu.memref_slice %arg5[%dma_wait3A, %dma_wait3A_8] : memref<9984x768xf32, #tpu.memory_space<hbm>> -> memref<9984x768xf32, #tpu.memory_space<hbm>>
    tpu.wait_indirect_dma semaphore(%arg9 : memref<!tpu.dma_semaphore, #tpu.memory_space<semaphore_mem>>) src(%arg8 : memref<128x768xf32, #tpu.memory_space<vmem>>) dst(%dma_wait3A_9 : memref<9984x768xf32, #tpu.memory_space<hbm>>)
    %dma_wait3A_10 = arith.constant 0 : i32
    %dma_wait3A_11 = arith.constant 0 : i32
    %dma_wait3A_12 = tpu.memref_slice %arg5[%dma_wait3A_10, %dma_wait3A_11] : memref<9984x768xf32, #tpu.memory_space<hbm>> -> memref<9984x768xf32, #tpu.memory_space<hbm>>
    tpu.wait_indirect_dma semaphore(%arg10 : memref<!tpu.dma_semaphore, #tpu.memory_space<semaphore_mem>>) src(%arg8 : memref<128x768xf32, #tpu.memory_space<vmem>>) dst(%dma_wait3A_12 : memref<9984x768xf32, #tpu.memory_space<hbm>>)
    return
  }
}

module attributes {stable_mosaic.version = 14 : i64} {
  func.func @_router_body(%arg0: memref<4096x768xf32, #tpu.memory_space<vmem>>, %arg1: memref<768x8xf32, #tpu.memory_space<vmem>>, %arg2: memref<1x8xf32, #tpu.memory_space<vmem>>, %arg3: memref<1x1xf32, #tpu.memory_space<vmem>>, %arg4: memref<1x1xf32, #tpu.memory_space<vmem>>, %arg5: memref<4096x1xf32, #tpu.memory_space<vmem>>, %arg6: memref<4096x1xf32, #tpu.memory_space<vmem>>, %arg7: memref<4096x1xi32, #tpu.memory_space<vmem>>, %arg8: memref<4096x1xi32, #tpu.memory_space<vmem>>, %arg9: memref<128x4xi32, #tpu.memory_space<vmem>>) attributes {dimension_semantics = [], scalar_prefetch = 0 : i64, scratch_operands = 0 : i64, tpu.core_type = #tpu.core_type<tc>} {
    %get3A = arith.constant 0 : index
    %get3A_0 = arith.constant 0 : index
    %get3A_1 = vector.load %arg0[%get3A, %get3A_0] : memref<4096x768xf32, #tpu.memory_space<vmem>>, vector<4096x768xf32>
    %get3A_2 = arith.constant 0 : index
    %get3A_3 = arith.constant 0 : index
    %get3A_4 = vector.load %arg1[%get3A_2, %get3A_3] : memref<768x8xf32, #tpu.memory_space<vmem>>, vector<768x8xf32>
    %dot_general3A = arith.constant dense<0.000000e+00> : vector<4096x8xf32>
    %dot_general3A_5 = tpu.matmul %get3A_1, %get3A_4, %dot_general3A {dimension_numbers = #tpu.dot_dimension_numbers<[1], [0], [0], [1], [0, 0, 1, 1], [], []>, transpose_lhs_hint = false} : vector<4096x768xf32>, vector<768x8xf32>, vector<4096x8xf32> -> vector<4096x8xf32>
    %get3A_6 = arith.constant 0 : index
    %get3A_7 = arith.constant 0 : index
    %get3A_8 = vector.load %arg2[%get3A_6, %get3A_7] : memref<1x8xf32, #tpu.memory_space<vmem>>, vector<1x8xf32>
    %add3A = vector.broadcast %get3A_8 : vector<1x8xf32> to vector<4096x8xf32>
    %add3A_9 = arith.addf %dot_general3A_5, %add3A : vector<4096x8xf32>
    %get3A_10 = arith.constant 0 : index
    %get3A_11 = arith.constant 0 : index
    %get3A_12 = vector.load %arg3[%get3A_10, %get3A_11] : memref<1x1xf32, #tpu.memory_space<vmem>>, vector<1x1xf32>
    %get3A_13 = vector.extract %get3A_12[0, 0] : f32 from vector<1x1xf32>
    %div3A = vector.broadcast %get3A_13 : f32 to vector<4096x8xf32>
    %div3A_14 = arith.divf %add3A_9, %div3A : vector<4096x8xf32>
    %reduce_max3A = arith.constant dense<0xFF800000> : vector<4096xf32>
    %reduce_max3A_15 = vector.multi_reduction <maximumf>, %div3A_14, %reduce_max3A [1] : vector<4096x8xf32> to vector<4096xf32>
    %broadcast_in_dim3A = vector.shape_cast %reduce_max3A_15 : vector<4096xf32> to vector<4096x1xf32>
    %sub3A = vector.broadcast %broadcast_in_dim3A : vector<4096x1xf32> to vector<4096x8xf32>
    %sub3A_16 = arith.subf %div3A_14, %sub3A : vector<4096x8xf32>
    %exp3A = math.exp %sub3A_16 : vector<4096x8xf32>
    %reduce_sum3A = arith.constant dense<0.000000e+00> : vector<4096xf32>
    %reduce_sum3A_17 = vector.multi_reduction <add>, %exp3A, %reduce_sum3A [1] : vector<4096x8xf32> to vector<4096xf32>
    %broadcast_in_dim3A_18 = vector.shape_cast %reduce_sum3A_17 : vector<4096xf32> to vector<4096x1xf32>
    %div3A_19 = vector.broadcast %broadcast_in_dim3A_18 : vector<4096x1xf32> to vector<4096x8xf32>
    %div3A_20 = arith.divf %exp3A, %div3A_19 : vector<4096x8xf32>
    %iota3A = tpu.iota {dimensions = array<i32: 1>} : vector<4096x8xi32>
    %reduce_max3A_21 = arith.constant dense<0xFF800000> : vector<4096xf32>
    %reduce_max3A_22 = vector.multi_reduction <maximumf>, %div3A_20, %reduce_max3A_21 [1] : vector<4096x8xf32> to vector<4096xf32>
    %broadcast_in_dim3A_23 = vector.shape_cast %reduce_max3A_22 : vector<4096xf32> to vector<4096x1xf32>
    %eq3A = vector.broadcast %broadcast_in_dim3A_23 : vector<4096x1xf32> to vector<4096x8xf32>
    %eq3A_24 = arith.cmpf oeq, %div3A_20, %eq3A : vector<4096x8xf32>
    %jit3A = arith.constant 8 : i32
    %broadcast_in_dim3A_25 = vector.broadcast %jit3A : i32 to vector<4096x8xi32>
    %select_n3A = arith.select %eq3A_24, %iota3A, %broadcast_in_dim3A_25 : vector<4096x8xi1>, vector<4096x8xi32>
    %reduce_min3A = arith.constant dense<2147483647> : vector<4096xi32>
    %reduce_min3A_26 = vector.multi_reduction <minsi>, %select_n3A, %reduce_min3A [1] : vector<4096x8xi32> to vector<4096xi32>
    %broadcast_in_dim3A_27 = vector.shape_cast %reduce_min3A_26 : vector<4096xi32> to vector<4096x1xi32>
    %eq3A_28 = vector.broadcast %broadcast_in_dim3A_27 : vector<4096x1xi32> to vector<4096x8xi32>
    %eq3A_29 = arith.cmpi eq, %iota3A, %eq3A_28 : vector<4096x8xi32>
    %jit3A_30 = arith.constant 0xFF800000 : f32
    %broadcast_in_dim3A_31 = vector.broadcast %jit3A_30 : f32 to vector<4096x8xf32>
    %select_n3A_32 = arith.select %eq3A_29, %broadcast_in_dim3A_31, %div3A_20 : vector<4096x8xi1>, vector<4096x8xf32>
    %reduce_max3A_33 = arith.constant dense<0xFF800000> : vector<4096xf32>
    %reduce_max3A_34 = vector.multi_reduction <maximumf>, %select_n3A_32, %reduce_max3A_33 [1] : vector<4096x8xf32> to vector<4096xf32>
    %broadcast_in_dim3A_35 = vector.shape_cast %reduce_max3A_34 : vector<4096xf32> to vector<4096x1xf32>
    %eq3A_36 = vector.broadcast %broadcast_in_dim3A_35 : vector<4096x1xf32> to vector<4096x8xf32>
    %eq3A_37 = arith.cmpf oeq, %select_n3A_32, %eq3A_36 : vector<4096x8xf32>
    %jit3A_38 = arith.constant 8 : i32
    %broadcast_in_dim3A_39 = vector.broadcast %jit3A_38 : i32 to vector<4096x8xi32>
    %select_n3A_40 = arith.select %eq3A_37, %iota3A, %broadcast_in_dim3A_39 : vector<4096x8xi1>, vector<4096x8xi32>
    %reduce_min3A_41 = arith.constant dense<2147483647> : vector<4096xi32>
    %reduce_min3A_42 = vector.multi_reduction <minsi>, %select_n3A_40, %reduce_min3A_41 [1] : vector<4096x8xi32> to vector<4096xi32>
    %broadcast_in_dim3A_43 = vector.shape_cast %reduce_min3A_42 : vector<4096xi32> to vector<4096x1xi32>
    %eq3A_44 = vector.broadcast %broadcast_in_dim3A_27 : vector<4096x1xi32> to vector<4096x8xi32>
    %eq3A_45 = arith.cmpi eq, %iota3A, %eq3A_44 : vector<4096x8xi32>
    %convert_element_type3A = arith.extui %eq3A_45 : vector<4096x8xi1> to vector<4096x8xi32>
    %convert_element_type3A_46 = arith.sitofp %convert_element_type3A : vector<4096x8xi32> to vector<4096x8xf32>
    %eq3A_47 = vector.broadcast %broadcast_in_dim3A_43 : vector<4096x1xi32> to vector<4096x8xi32>
    %eq3A_48 = arith.cmpi eq, %iota3A, %eq3A_47 : vector<4096x8xi32>
    %convert_element_type3A_49 = arith.extui %eq3A_48 : vector<4096x8xi1> to vector<4096x8xi32>
    %convert_element_type3A_50 = arith.sitofp %convert_element_type3A_49 : vector<4096x8xi32> to vector<4096x8xf32>
    %reduce_sum3A_51 = arith.constant dense<0.000000e+00> : vector<8xf32>
    %reduce_sum3A_52 = vector.multi_reduction <add>, %convert_element_type3A_46, %reduce_sum3A_51 [0] : vector<4096x8xf32> to vector<8xf32>
    %broadcast_in_dim3A_53 = vector.shape_cast %reduce_sum3A_52 : vector<8xf32> to vector<1x8xf32>
    %div3A_54 = arith.constant 4.096000e+03 : f32
    %div3A_55 = vector.broadcast %div3A_54 : f32 to vector<1x8xf32>
    %div3A_56 = arith.divf %broadcast_in_dim3A_53, %div3A_55 : vector<1x8xf32>
    %add3A_57 = arith.constant 9.99999993E-9 : f32
    %add3A_58 = vector.broadcast %add3A_57 : f32 to vector<1x8xf32>
    %add3A_59 = arith.addf %div3A_56, %add3A_58 : vector<1x8xf32>
    %reduce_sum3A_60 = vector.shape_cast %add3A_59 : vector<1x8xf32> to vector<1x1x8xf32>
    %reduce_sum3A_61 = arith.constant dense<0.000000e+00> : vector<1xf32>
    %reduce_sum3A_62 = vector.multi_reduction <add>, %reduce_sum3A_60, %reduce_sum3A_61 [1, 2] : vector<1x1x8xf32> to vector<1xf32>
    %reduce_sum3A_63 = vector.shape_cast %reduce_sum3A_62 : vector<1xf32> to vector<1x1x1xf32>
    %reduce_sum3A_64 = vector.extract %reduce_sum3A_63[0, 0, 0] : f32 from vector<1x1x1xf32>
    %div3A_65 = vector.broadcast %reduce_sum3A_64 : f32 to vector<1x8xf32>
    %div3A_66 = arith.divf %add3A_59, %div3A_65 : vector<1x8xf32>
    %log3A = arith.constant 1.250000e-01 : f32
    %log3A_67 = math.log %log3A : f32
    %log3A_68 = math.log %div3A_66 : vector<1x8xf32>
    %sub3A_69 = vector.broadcast %log3A_67 : f32 to vector<1x8xf32>
    %sub3A_70 = arith.subf %sub3A_69, %log3A_68 : vector<1x8xf32>
    %mul3A = arith.constant 1.250000e-01 : f32
    %mul3A_71 = vector.broadcast %mul3A : f32 to vector<1x8xf32>
    %mul3A_72 = arith.mulf %mul3A_71, %sub3A_70 : vector<1x8xf32>
    %reduce_sum3A_73 = arith.constant dense<0.000000e+00> : vector<1xf32>
    %reduce_sum3A_74 = vector.multi_reduction <add>, %mul3A_72, %reduce_sum3A_73 [1] : vector<1x8xf32> to vector<1xf32>
    %broadcast_in_dim3A_75 = vector.shape_cast %reduce_sum3A_74 : vector<1xf32> to vector<1x1xf32>
    %mul3A_76 = arith.constant 1.000000e-01 : f32
    %mul3A_77 = vector.broadcast %mul3A_76 : f32 to vector<1x1xf32>
    %mul3A_78 = arith.mulf %mul3A_77, %broadcast_in_dim3A_75 : vector<1x1xf32>
    %swap3A = arith.constant 0 : index
    %swap3A_79 = arith.constant 0 : index
    %swap3A_80 = vector.load %arg4[%swap3A, %swap3A_79] : memref<1x1xf32, #tpu.memory_space<vmem>>, vector<1x1xf32>
    tpu.vector_store %arg4[%swap3A, %swap3A_79], %mul3A_78 {strides = array<i32>} : memref<1x1xf32, #tpu.memory_space<vmem>>, vector<1x1xf32>,
    %broadcast_in_dim3A_81 = arith.constant 1.250000e-01 : f32
    %broadcast_in_dim3A_82 = vector.broadcast %broadcast_in_dim3A_81 : f32 to vector<1x8xf32>
    %reshape3A = vector.shape_cast %broadcast_in_dim3A_82 : vector<1x8xf32> to vector<8x1xf32>
    %dot_general3A_83 = arith.constant dense<0.000000e+00> : vector<4096x1xf32>
    %dot_general3A_84 = tpu.matmul %div3A_20, %reshape3A, %dot_general3A_83 {dimension_numbers = #tpu.dot_dimension_numbers<[1], [0], [0], [1], [0, 0, 1, 1], [], []>, transpose_lhs_hint = false} : vector<4096x8xf32>, vector<8x1xf32>, vector<4096x1xf32> -> vector<4096x1xf32>
    %add3A_85 = arith.constant 9.99999993E-9 : f32
    %add3A_86 = vector.broadcast %add3A_85 : f32 to vector<4096x1xf32>
    %add3A_87 = arith.addf %dot_general3A_84, %add3A_86 : vector<4096x1xf32>
    %div3A_88 = arith.constant 1.000000e+00 : f32
    %div3A_89 = vector.broadcast %div3A_88 : f32 to vector<4096x1xf32>
    %div3A_90 = arith.divf %div3A_89, %add3A_87 : vector<4096x1xf32>
    %mul3A_91 = vector.broadcast %div3A_90 : vector<4096x1xf32> to vector<4096x8xf32>
    %mul3A_92 = arith.mulf %div3A_20, %mul3A_91 : vector<4096x8xf32>
    %reduce_sum3A_93 = arith.constant dense<0.000000e+00> : vector<8xf32>
    %reduce_sum3A_94 = vector.multi_reduction <add>, %mul3A_92, %reduce_sum3A_93 [0] : vector<4096x8xf32> to vector<8xf32>
    %broadcast_in_dim3A_95 = vector.shape_cast %reduce_sum3A_94 : vector<8xf32> to vector<1x8xf32>
    %mul3A_96 = arith.mulf %broadcast_in_dim3A_82, %broadcast_in_dim3A_95 : vector<1x8xf32>
    %reduce_sum3A_97 = vector.shape_cast %mul3A_96 : vector<1x8xf32> to vector<1x1x8xf32>
    %reduce_sum3A_98 = arith.constant dense<0.000000e+00> : vector<1xf32>
    %reduce_sum3A_99 = vector.multi_reduction <add>, %reduce_sum3A_97, %reduce_sum3A_98 [1, 2] : vector<1x1x8xf32> to vector<1xf32>
    %reduce_sum3A_100 = vector.shape_cast %reduce_sum3A_99 : vector<1xf32> to vector<1x1x1xf32>
    %reduce_sum3A_101 = vector.extract %reduce_sum3A_100[0, 0, 0] : f32 from vector<1x1x1xf32>
    %add3A_102 = arith.constant 9.99999993E-9 : f32
    %add3A_103 = arith.addf %reduce_sum3A_101, %add3A_102 : f32
    %div3A_104 = vector.broadcast %add3A_103 : f32 to vector<1x8xf32>
    %div3A_105 = arith.divf %mul3A_96, %div3A_104 : vector<1x8xf32>
    %reshape3A_106 = vector.shape_cast %div3A_105 : vector<1x8xf32> to vector<8x1xf32>
    %dot_general3A_107 = arith.constant dense<0.000000e+00> : vector<4096x1xf32>
    %dot_general3A_108 = tpu.matmul %div3A_20, %reshape3A_106, %dot_general3A_107 {dimension_numbers = #tpu.dot_dimension_numbers<[1], [0], [0], [1], [0, 0, 1, 1], [], []>, transpose_lhs_hint = false} : vector<4096x8xf32>, vector<8x1xf32>, vector<4096x1xf32> -> vector<4096x1xf32>
    %add3A_109 = arith.constant 9.99999993E-9 : f32
    %add3A_110 = vector.broadcast %add3A_109 : f32 to vector<4096x1xf32>
    %add3A_111 = arith.addf %dot_general3A_108, %add3A_110 : vector<4096x1xf32>
    %div3A_112 = arith.constant 1.000000e+00 : f32
    %div3A_113 = vector.broadcast %div3A_112 : f32 to vector<4096x1xf32>
    %div3A_114 = arith.divf %div3A_113, %add3A_111 : vector<4096x1xf32>
    %mul3A_115 = vector.broadcast %div3A_114 : vector<4096x1xf32> to vector<4096x8xf32>
    %mul3A_116 = arith.mulf %div3A_20, %mul3A_115 : vector<4096x8xf32>
    %reduce_sum3A_117 = arith.constant dense<0.000000e+00> : vector<8xf32>
    %reduce_sum3A_118 = vector.multi_reduction <add>, %mul3A_116, %reduce_sum3A_117 [0] : vector<4096x8xf32> to vector<8xf32>
    %broadcast_in_dim3A_119 = vector.shape_cast %reduce_sum3A_118 : vector<8xf32> to vector<1x8xf32>
    %mul3A_120 = arith.mulf %div3A_105, %broadcast_in_dim3A_119 : vector<1x8xf32>
    %reduce_sum3A_121 = vector.shape_cast %mul3A_120 : vector<1x8xf32> to vector<1x1x8xf32>
    %reduce_sum3A_122 = arith.constant dense<0.000000e+00> : vector<1xf32>
    %reduce_sum3A_123 = vector.multi_reduction <add>, %reduce_sum3A_121, %reduce_sum3A_122 [1, 2] : vector<1x1x8xf32> to vector<1xf32>
    %reduce_sum3A_124 = vector.shape_cast %reduce_sum3A_123 : vector<1xf32> to vector<1x1x1xf32>
    %reduce_sum3A_125 = vector.extract %reduce_sum3A_124[0, 0, 0] : f32 from vector<1x1x1xf32>
    %add3A_126 = arith.constant 9.99999993E-9 : f32
    %add3A_127 = arith.addf %reduce_sum3A_125, %add3A_126 : f32
    %div3A_128 = vector.broadcast %add3A_127 : f32 to vector<1x8xf32>
    %div3A_129 = arith.divf %mul3A_120, %div3A_128 : vector<1x8xf32>
    %reshape3A_130 = vector.shape_cast %div3A_129 : vector<1x8xf32> to vector<8x1xf32>
    %dot_general3A_131 = arith.constant dense<0.000000e+00> : vector<4096x1xf32>
    %dot_general3A_132 = tpu.matmul %div3A_20, %reshape3A_130, %dot_general3A_131 {dimension_numbers = #tpu.dot_dimension_numbers<[1], [0], [0], [1], [0, 0, 1, 1], [], []>, transpose_lhs_hint = false} : vector<4096x8xf32>, vector<8x1xf32>, vector<4096x1xf32> -> vector<4096x1xf32>
    %add3A_133 = arith.constant 9.99999993E-9 : f32
    %add3A_134 = vector.broadcast %add3A_133 : f32 to vector<4096x1xf32>
    %add3A_135 = arith.addf %dot_general3A_132, %add3A_134 : vector<4096x1xf32>
    %div3A_136 = arith.constant 1.000000e+00 : f32
    %div3A_137 = vector.broadcast %div3A_136 : f32 to vector<4096x1xf32>
    %div3A_138 = arith.divf %div3A_137, %add3A_135 : vector<4096x1xf32>
    %mul3A_139 = vector.broadcast %div3A_138 : vector<4096x1xf32> to vector<4096x8xf32>
    %mul3A_140 = arith.mulf %div3A_20, %mul3A_139 : vector<4096x8xf32>
    %reduce_sum3A_141 = arith.constant dense<0.000000e+00> : vector<8xf32>
    %reduce_sum3A_142 = vector.multi_reduction <add>, %mul3A_140, %reduce_sum3A_141 [0] : vector<4096x8xf32> to vector<8xf32>
    %broadcast_in_dim3A_143 = vector.shape_cast %reduce_sum3A_142 : vector<8xf32> to vector<1x8xf32>
    %mul3A_144 = arith.mulf %div3A_129, %broadcast_in_dim3A_143 : vector<1x8xf32>
    %reduce_sum3A_145 = vector.shape_cast %mul3A_144 : vector<1x8xf32> to vector<1x1x8xf32>
    %reduce_sum3A_146 = arith.constant dense<0.000000e+00> : vector<1xf32>
    %reduce_sum3A_147 = vector.multi_reduction <add>, %reduce_sum3A_145, %reduce_sum3A_146 [1, 2] : vector<1x1x8xf32> to vector<1xf32>
    %reduce_sum3A_148 = vector.shape_cast %reduce_sum3A_147 : vector<1xf32> to vector<1x1x1xf32>
    %reduce_sum3A_149 = vector.extract %reduce_sum3A_148[0, 0, 0] : f32 from vector<1x1x1xf32>
    %add3A_150 = arith.constant 9.99999993E-9 : f32
    %add3A_151 = arith.addf %reduce_sum3A_149, %add3A_150 : f32
    %div3A_152 = vector.broadcast %add3A_151 : f32 to vector<1x8xf32>
    %div3A_153 = arith.divf %mul3A_144, %div3A_152 : vector<1x8xf32>
    %reshape3A_154 = vector.shape_cast %div3A_153 : vector<1x8xf32> to vector<8x1xf32>
    %dot_general3A_155 = arith.constant dense<0.000000e+00> : vector<4096x1xf32>
    %dot_general3A_156 = tpu.matmul %div3A_20, %reshape3A_154, %dot_general3A_155 {dimension_numbers = #tpu.dot_dimension_numbers<[1], [0], [0], [1], [0, 0, 1, 1], [], []>, transpose_lhs_hint = false} : vector<4096x8xf32>, vector<8x1xf32>, vector<4096x1xf32> -> vector<4096x1xf32>
    %add3A_157 = arith.constant 9.99999993E-9 : f32
    %add3A_158 = vector.broadcast %add3A_157 : f32 to vector<4096x1xf32>
    %add3A_159 = arith.addf %dot_general3A_156, %add3A_158 : vector<4096x1xf32>
    %div3A_160 = arith.constant 1.000000e+00 : f32
    %div3A_161 = vector.broadcast %div3A_160 : f32 to vector<4096x1xf32>
    %div3A_162 = arith.divf %div3A_161, %add3A_159 : vector<4096x1xf32>
    %mul3A_163 = vector.broadcast %div3A_162 : vector<4096x1xf32> to vector<4096x8xf32>
    %mul3A_164 = arith.mulf %div3A_20, %mul3A_163 : vector<4096x8xf32>
    %reduce_sum3A_165 = arith.constant dense<0.000000e+00> : vector<8xf32>
    %reduce_sum3A_166 = vector.multi_reduction <add>, %mul3A_164, %reduce_sum3A_165 [0] : vector<4096x8xf32> to vector<8xf32>
    %broadcast_in_dim3A_167 = vector.shape_cast %reduce_sum3A_166 : vector<8xf32> to vector<1x8xf32>
    %mul3A_168 = arith.mulf %div3A_153, %broadcast_in_dim3A_167 : vector<1x8xf32>
    %reduce_sum3A_169 = vector.shape_cast %mul3A_168 : vector<1x8xf32> to vector<1x1x8xf32>
    %reduce_sum3A_170 = arith.constant dense<0.000000e+00> : vector<1xf32>
    %reduce_sum3A_171 = vector.multi_reduction <add>, %reduce_sum3A_169, %reduce_sum3A_170 [1, 2] : vector<1x1x8xf32> to vector<1xf32>
    %reduce_sum3A_172 = vector.shape_cast %reduce_sum3A_171 : vector<1xf32> to vector<1x1x1xf32>
    %reduce_sum3A_173 = vector.extract %reduce_sum3A_172[0, 0, 0] : f32 from vector<1x1x1xf32>
    %add3A_174 = arith.constant 9.99999993E-9 : f32
    %add3A_175 = arith.addf %reduce_sum3A_173, %add3A_174 : f32
    %div3A_176 = vector.broadcast %add3A_175 : f32 to vector<1x8xf32>
    %div3A_177 = arith.divf %mul3A_168, %div3A_176 : vector<1x8xf32>
    %reshape3A_178 = vector.shape_cast %div3A_177 : vector<1x8xf32> to vector<8x1xf32>
    %dot_general3A_179 = arith.constant dense<0.000000e+00> : vector<4096x1xf32>
    %dot_general3A_180 = tpu.matmul %div3A_20, %reshape3A_178, %dot_general3A_179 {dimension_numbers = #tpu.dot_dimension_numbers<[1], [0], [0], [1], [0, 0, 1, 1], [], []>, transpose_lhs_hint = false} : vector<4096x8xf32>, vector<8x1xf32>, vector<4096x1xf32> -> vector<4096x1xf32>
    %add3A_181 = arith.constant 9.99999993E-9 : f32
    %add3A_182 = vector.broadcast %add3A_181 : f32 to vector<4096x1xf32>
    %add3A_183 = arith.addf %dot_general3A_180, %add3A_182 : vector<4096x1xf32>
    %div3A_184 = arith.constant 1.000000e+00 : f32
    %div3A_185 = vector.broadcast %div3A_184 : f32 to vector<4096x1xf32>
    %div3A_186 = arith.divf %div3A_185, %add3A_183 : vector<4096x1xf32>
    %mul3A_187 = vector.broadcast %div3A_186 : vector<4096x1xf32> to vector<4096x8xf32>
    %mul3A_188 = arith.mulf %div3A_20, %mul3A_187 : vector<4096x8xf32>
    %reduce_sum3A_189 = arith.constant dense<0.000000e+00> : vector<8xf32>
    %reduce_sum3A_190 = vector.multi_reduction <add>, %mul3A_188, %reduce_sum3A_189 [0] : vector<4096x8xf32> to vector<8xf32>
    %broadcast_in_dim3A_191 = vector.shape_cast %reduce_sum3A_190 : vector<8xf32> to vector<1x8xf32>
    %mul3A_192 = arith.mulf %div3A_177, %broadcast_in_dim3A_191 : vector<1x8xf32>
    %reduce_sum3A_193 = vector.shape_cast %mul3A_192 : vector<1x8xf32> to vector<1x1x8xf32>
    %reduce_sum3A_194 = arith.constant dense<0.000000e+00> : vector<1xf32>
    %reduce_sum3A_195 = vector.multi_reduction <add>, %reduce_sum3A_193, %reduce_sum3A_194 [1, 2] : vector<1x1x8xf32> to vector<1xf32>
    %reduce_sum3A_196 = vector.shape_cast %reduce_sum3A_195 : vector<1xf32> to vector<1x1x1xf32>
    %reduce_sum3A_197 = vector.extract %reduce_sum3A_196[0, 0, 0] : f32 from vector<1x1x1xf32>
    %add3A_198 = arith.constant 9.99999993E-9 : f32
    %add3A_199 = arith.addf %reduce_sum3A_197, %add3A_198 : f32
    %div3A_200 = vector.broadcast %add3A_199 : f32 to vector<1x8xf32>
    %div3A_201 = arith.divf %mul3A_192, %div3A_200 : vector<1x8xf32>
    %mul3A_202 = vector.broadcast %div3A_201 : vector<1x8xf32> to vector<4096x8xf32>
    %mul3A_203 = arith.mulf %convert_element_type3A_46, %mul3A_202 : vector<4096x8xf32>
    %reduce_sum3A_204 = arith.constant dense<0.000000e+00> : vector<4096xf32>
    %reduce_sum3A_205 = vector.multi_reduction <add>, %mul3A_203, %reduce_sum3A_204 [1] : vector<4096x8xf32> to vector<4096xf32>
    %broadcast_in_dim3A_206 = vector.shape_cast %reduce_sum3A_205 : vector<4096xf32> to vector<4096x1xf32>
    %mul3A_207 = arith.mulf %broadcast_in_dim3A_23, %broadcast_in_dim3A_206 : vector<4096x1xf32>
    %mul3A_208 = vector.broadcast %div3A_201 : vector<1x8xf32> to vector<4096x8xf32>
    %mul3A_209 = arith.mulf %convert_element_type3A_50, %mul3A_208 : vector<4096x8xf32>
    %reduce_sum3A_210 = arith.constant dense<0.000000e+00> : vector<4096xf32>
    %reduce_sum3A_211 = vector.multi_reduction <add>, %mul3A_209, %reduce_sum3A_210 [1] : vector<4096x8xf32> to vector<4096xf32>
    %broadcast_in_dim3A_212 = vector.shape_cast %reduce_sum3A_211 : vector<4096xf32> to vector<4096x1xf32>
    %mul3A_213 = arith.mulf %broadcast_in_dim3A_35, %broadcast_in_dim3A_212 : vector<4096x1xf32>
    %add3A_214 = arith.addf %mul3A_207, %mul3A_213 : vector<4096x1xf32>
    %add3A_215 = arith.constant 9.99999993E-9 : f32
    %add3A_216 = vector.broadcast %add3A_215 : f32 to vector<4096x1xf32>
    %add3A_217 = arith.addf %add3A_214, %add3A_216 : vector<4096x1xf32>
    %div3A_218 = arith.divf %mul3A_207, %add3A_217 : vector<4096x1xf32>
    %swap3A_219 = arith.constant 0 : index
    %swap3A_220 = arith.constant 0 : index
    %swap3A_221 = vector.load %arg5[%swap3A_219, %swap3A_220] : memref<4096x1xf32, #tpu.memory_space<vmem>>, vector<4096x1xf32>
    tpu.vector_store %arg5[%swap3A_219, %swap3A_220], %div3A_218 {strides = array<i32>} : memref<4096x1xf32, #tpu.memory_space<vmem>>, vector<4096x1xf32>,
    %div3A_222 = arith.divf %mul3A_213, %add3A_217 : vector<4096x1xf32>
    %swap3A_223 = arith.constant 0 : index
    %swap3A_224 = arith.constant 0 : index
    %swap3A_225 = vector.load %arg6[%swap3A_223, %swap3A_224] : memref<4096x1xf32, #tpu.memory_space<vmem>>, vector<4096x1xf32>
    tpu.vector_store %arg6[%swap3A_223, %swap3A_224], %div3A_222 {strides = array<i32>} : memref<4096x1xf32, #tpu.memory_space<vmem>>, vector<4096x1xf32>,
    %reduce_sum3A_226 = arith.constant dense<0.000000e+00> : vector<8xf32>
    %reduce_sum3A_227 = vector.multi_reduction <add>, %convert_element_type3A_46, %reduce_sum3A_226 [0] : vector<4096x8xf32> to vector<8xf32>
    %broadcast_in_dim3A_228 = vector.shape_cast %reduce_sum3A_227 : vector<8xf32> to vector<1x8xf32>
    %reduce_sum3A_229 = arith.constant dense<0.000000e+00> : vector<8xf32>
    %reduce_sum3A_230 = vector.multi_reduction <add>, %convert_element_type3A_50, %reduce_sum3A_229 [0] : vector<4096x8xf32> to vector<8xf32>
    %broadcast_in_dim3A_231 = vector.shape_cast %reduce_sum3A_230 : vector<8xf32> to vector<1x8xf32>
    %add3A_232 = arith.addf %broadcast_in_dim3A_228, %broadcast_in_dim3A_231 : vector<1x8xf32>
    %div3A_233 = arith.constant 2.560000e+02 : f32
    %div3A_234 = vector.broadcast %div3A_233 : f32 to vector<1x8xf32>
    %div3A_235 = arith.divf %add3A_232, %div3A_234 : vector<1x8xf32>
    %ceil3A = math.ceil %div3A_235 : vector<1x8xf32>
    %mul3A_236 = arith.constant 2.560000e+02 : f32
    %mul3A_237 = vector.broadcast %mul3A_236 : f32 to vector<1x8xf32>
    %mul3A_238 = arith.mulf %ceil3A, %mul3A_237 : vector<1x8xf32>
    %iota3A_239 = tpu.iota {dimensions = array<i32: 0>} : vector<8x8xi32>
    %iota3A_240 = tpu.iota {dimensions = array<i32: 1>} : vector<8x8xi32>
    %lt3A = arith.cmpi slt, %iota3A_239, %iota3A_240 : vector<8x8xi32>
    %convert_element_type3A_241 = arith.extui %lt3A : vector<8x8xi1> to vector<8x8xi32>
    %convert_element_type3A_242 = arith.sitofp %convert_element_type3A_241 : vector<8x8xi32> to vector<8x8xf32>
    %dot_general3A_243 = arith.constant dense<0.000000e+00> : vector<1x8xf32>
    %dot_general3A_244 = tpu.matmul %mul3A_238, %convert_element_type3A_242, %dot_general3A_243 {dimension_numbers = #tpu.dot_dimension_numbers<[1], [0], [0], [1], [0, 0, 1, 1], [], []>, transpose_lhs_hint = false} : vector<1x8xf32>, vector<8x8xf32>, vector<1x8xf32> -> vector<1x8xf32>
    %iota3A_245 = tpu.iota {dimensions = array<i32: 0>} : vector<512x512xi32>
    %iota3A_246 = tpu.iota {dimensions = array<i32: 1>} : vector<512x512xi32>
    %ge3A = arith.cmpi sge, %iota3A_245, %iota3A_246 : vector<512x512xi32>
    %convert_element_type3A_247 = arith.extui %ge3A : vector<512x512xi1> to vector<512x512xi32>
    %convert_element_type3A_248 = arith.sitofp %convert_element_type3A_247 : vector<512x512xi32> to vector<512x512xf32>
    %concatenate3A = tpu.concatenate %convert_element_type3A_46, %convert_element_type3A_50 in 1 : vector<4096x8xf32>, vector<4096x8xf32> -> vector<4096x16xf32>
    %broadcast_in_dim3A_249 = arith.constant 0.000000e+00 : f32
    %broadcast_in_dim3A_250 = vector.broadcast %broadcast_in_dim3A_249 : f32 to vector<1x16xf32>
    %slice3A = vector.extract_strided_slice %concatenate3A {offsets = [0, 0], sizes = [512, 16], strides = [1, 1]} : vector<4096x16xf32> to vector<512x16xf32>
    %dot_general3A_251 = arith.constant dense<0.000000e+00> : vector<512x16xf32>
    %dot_general3A_252 = tpu.matmul %convert_element_type3A_248, %slice3A, %dot_general3A_251 {dimension_numbers = #tpu.dot_dimension_numbers<[1], [0], [0], [1], [0, 0, 1, 1], [], []>, transpose_lhs_hint = false} : vector<512x512xf32>, vector<512x16xf32>, vector<512x16xf32> -> vector<512x16xf32>
    %add3A_253 = vector.broadcast %broadcast_in_dim3A_250 : vector<1x16xf32> to vector<512x16xf32>
    %add3A_254 = arith.addf %dot_general3A_252, %add3A_253 : vector<512x16xf32>
    %mul3A_255 = arith.mulf %slice3A, %add3A_254 : vector<512x16xf32>
    %slice3A_256 = vector.extract_strided_slice %mul3A_255 {offsets = [0, 0], sizes = [512, 8], strides = [1, 1]} : vector<512x16xf32> to vector<512x8xf32>
    %reduce_sum3A_257 = arith.constant dense<0.000000e+00> : vector<512xf32>
    %reduce_sum3A_258 = vector.multi_reduction <add>, %slice3A_256, %reduce_sum3A_257 [1] : vector<512x8xf32> to vector<512xf32>
    %broadcast_in_dim3A_259 = vector.shape_cast %reduce_sum3A_258 : vector<512xf32> to vector<512x1xf32>
    %sub3A_260 = arith.constant 1.000000e+00 : f32
    %sub3A_261 = vector.broadcast %sub3A_260 : f32 to vector<512x1xf32>
    %sub3A_262 = arith.subf %broadcast_in_dim3A_259, %sub3A_261 : vector<512x1xf32>
    %slice3A_263 = vector.extract_strided_slice %mul3A_255 {offsets = [0, 8], sizes = [512, 8], strides = [1, 1]} : vector<512x16xf32> to vector<512x8xf32>
    %reduce_sum3A_264 = arith.constant dense<0.000000e+00> : vector<512xf32>
    %reduce_sum3A_265 = vector.multi_reduction <add>, %slice3A_263, %reduce_sum3A_264 [1] : vector<512x8xf32> to vector<512xf32>
    %broadcast_in_dim3A_266 = vector.shape_cast %reduce_sum3A_265 : vector<512xf32> to vector<512x1xf32>
    %sub3A_267 = arith.constant 1.000000e+00 : f32
    %sub3A_268 = vector.broadcast %sub3A_267 : f32 to vector<512x1xf32>
    %sub3A_269 = arith.subf %broadcast_in_dim3A_266, %sub3A_268 : vector<512x1xf32>
    %reduce_sum3A_270 = arith.constant dense<0.000000e+00> : vector<16xf32>
    %reduce_sum3A_271 = vector.multi_reduction <add>, %slice3A, %reduce_sum3A_270 [0] : vector<512x16xf32> to vector<16xf32>
    %broadcast_in_dim3A_272 = vector.shape_cast %reduce_sum3A_271 : vector<16xf32> to vector<1x16xf32>
    %add3A_273 = arith.addf %broadcast_in_dim3A_250, %broadcast_in_dim3A_272 : vector<1x16xf32>
    %slice3A_274 = vector.extract_strided_slice %concatenate3A {offsets = [512, 0], sizes = [512, 16], strides = [1, 1]} : vector<4096x16xf32> to vector<512x16xf32>
    %dot_general3A_275 = arith.constant dense<0.000000e+00> : vector<512x16xf32>
    %dot_general3A_276 = tpu.matmul %convert_element_type3A_248, %slice3A_274, %dot_general3A_275 {dimension_numbers = #tpu.dot_dimension_numbers<[1], [0], [0], [1], [0, 0, 1, 1], [], []>, transpose_lhs_hint = false} : vector<512x512xf32>, vector<512x16xf32>, vector<512x16xf32> -> vector<512x16xf32>
    %add3A_277 = vector.broadcast %add3A_273 : vector<1x16xf32> to vector<512x16xf32>
    %add3A_278 = arith.addf %dot_general3A_276, %add3A_277 : vector<512x16xf32>
    %mul3A_279 = arith.mulf %slice3A_274, %add3A_278 : vector<512x16xf32>
    %slice3A_280 = vector.extract_strided_slice %mul3A_279 {offsets = [0, 0], sizes = [512, 8], strides = [1, 1]} : vector<512x16xf32> to vector<512x8xf32>
    %reduce_sum3A_281 = arith.constant dense<0.000000e+00> : vector<512xf32>
    %reduce_sum3A_282 = vector.multi_reduction <add>, %slice3A_280, %reduce_sum3A_281 [1] : vector<512x8xf32> to vector<512xf32>
    %broadcast_in_dim3A_283 = vector.shape_cast %reduce_sum3A_282 : vector<512xf32> to vector<512x1xf32>
    %sub3A_284 = arith.constant 1.000000e+00 : f32
    %sub3A_285 = vector.broadcast %sub3A_284 : f32 to vector<512x1xf32>
    %sub3A_286 = arith.subf %broadcast_in_dim3A_283, %sub3A_285 : vector<512x1xf32>
    %slice3A_287 = vector.extract_strided_slice %mul3A_279 {offsets = [0, 8], sizes = [512, 8], strides = [1, 1]} : vector<512x16xf32> to vector<512x8xf32>
    %reduce_sum3A_288 = arith.constant dense<0.000000e+00> : vector<512xf32>
    %reduce_sum3A_289 = vector.multi_reduction <add>, %slice3A_287, %reduce_sum3A_288 [1] : vector<512x8xf32> to vector<512xf32>
    %broadcast_in_dim3A_290 = vector.shape_cast %reduce_sum3A_289 : vector<512xf32> to vector<512x1xf32>
    %sub3A_291 = arith.constant 1.000000e+00 : f32
    %sub3A_292 = vector.broadcast %sub3A_291 : f32 to vector<512x1xf32>
    %sub3A_293 = arith.subf %broadcast_in_dim3A_290, %sub3A_292 : vector<512x1xf32>
    %reduce_sum3A_294 = arith.constant dense<0.000000e+00> : vector<16xf32>
    %reduce_sum3A_295 = vector.multi_reduction <add>, %slice3A_274, %reduce_sum3A_294 [0] : vector<512x16xf32> to vector<16xf32>
    %broadcast_in_dim3A_296 = vector.shape_cast %reduce_sum3A_295 : vector<16xf32> to vector<1x16xf32>
    %add3A_297 = arith.addf %add3A_273, %broadcast_in_dim3A_296 : vector<1x16xf32>
    %slice3A_298 = vector.extract_strided_slice %concatenate3A {offsets = [1024, 0], sizes = [512, 16], strides = [1, 1]} : vector<4096x16xf32> to vector<512x16xf32>
    %dot_general3A_299 = arith.constant dense<0.000000e+00> : vector<512x16xf32>
    %dot_general3A_300 = tpu.matmul %convert_element_type3A_248, %slice3A_298, %dot_general3A_299 {dimension_numbers = #tpu.dot_dimension_numbers<[1], [0], [0], [1], [0, 0, 1, 1], [], []>, transpose_lhs_hint = false} : vector<512x512xf32>, vector<512x16xf32>, vector<512x16xf32> -> vector<512x16xf32>
    %add3A_301 = vector.broadcast %add3A_297 : vector<1x16xf32> to vector<512x16xf32>
    %add3A_302 = arith.addf %dot_general3A_300, %add3A_301 : vector<512x16xf32>
    %mul3A_303 = arith.mulf %slice3A_298, %add3A_302 : vector<512x16xf32>
    %slice3A_304 = vector.extract_strided_slice %mul3A_303 {offsets = [0, 0], sizes = [512, 8], strides = [1, 1]} : vector<512x16xf32> to vector<512x8xf32>
    %reduce_sum3A_305 = arith.constant dense<0.000000e+00> : vector<512xf32>
    %reduce_sum3A_306 = vector.multi_reduction <add>, %slice3A_304, %reduce_sum3A_305 [1] : vector<512x8xf32> to vector<512xf32>
    %broadcast_in_dim3A_307 = vector.shape_cast %reduce_sum3A_306 : vector<512xf32> to vector<512x1xf32>
    %sub3A_308 = arith.constant 1.000000e+00 : f32
    %sub3A_309 = vector.broadcast %sub3A_308 : f32 to vector<512x1xf32>
    %sub3A_310 = arith.subf %broadcast_in_dim3A_307, %sub3A_309 : vector<512x1xf32>
    %slice3A_311 = vector.extract_strided_slice %mul3A_303 {offsets = [0, 8], sizes = [512, 8], strides = [1, 1]} : vector<512x16xf32> to vector<512x8xf32>
    %reduce_sum3A_312 = arith.constant dense<0.000000e+00> : vector<512xf32>
    %reduce_sum3A_313 = vector.multi_reduction <add>, %slice3A_311, %reduce_sum3A_312 [1] : vector<512x8xf32> to vector<512xf32>
    %broadcast_in_dim3A_314 = vector.shape_cast %reduce_sum3A_313 : vector<512xf32> to vector<512x1xf32>
    %sub3A_315 = arith.constant 1.000000e+00 : f32
    %sub3A_316 = vector.broadcast %sub3A_315 : f32 to vector<512x1xf32>
    %sub3A_317 = arith.subf %broadcast_in_dim3A_314, %sub3A_316 : vector<512x1xf32>
    %reduce_sum3A_318 = arith.constant dense<0.000000e+00> : vector<16xf32>
    %reduce_sum3A_319 = vector.multi_reduction <add>, %slice3A_298, %reduce_sum3A_318 [0] : vector<512x16xf32> to vector<16xf32>
    %broadcast_in_dim3A_320 = vector.shape_cast %reduce_sum3A_319 : vector<16xf32> to vector<1x16xf32>
    %add3A_321 = arith.addf %add3A_297, %broadcast_in_dim3A_320 : vector<1x16xf32>
    %slice3A_322 = vector.extract_strided_slice %concatenate3A {offsets = [1536, 0], sizes = [512, 16], strides = [1, 1]} : vector<4096x16xf32> to vector<512x16xf32>
    %dot_general3A_323 = arith.constant dense<0.000000e+00> : vector<512x16xf32>
    %dot_general3A_324 = tpu.matmul %convert_element_type3A_248, %slice3A_322, %dot_general3A_323 {dimension_numbers = #tpu.dot_dimension_numbers<[1], [0], [0], [1], [0, 0, 1, 1], [], []>, transpose_lhs_hint = false} : vector<512x512xf32>, vector<512x16xf32>, vector<512x16xf32> -> vector<512x16xf32>
    %add3A_325 = vector.broadcast %add3A_321 : vector<1x16xf32> to vector<512x16xf32>
    %add3A_326 = arith.addf %dot_general3A_324, %add3A_325 : vector<512x16xf32>
    %mul3A_327 = arith.mulf %slice3A_322, %add3A_326 : vector<512x16xf32>
    %slice3A_328 = vector.extract_strided_slice %mul3A_327 {offsets = [0, 0], sizes = [512, 8], strides = [1, 1]} : vector<512x16xf32> to vector<512x8xf32>
    %reduce_sum3A_329 = arith.constant dense<0.000000e+00> : vector<512xf32>
    %reduce_sum3A_330 = vector.multi_reduction <add>, %slice3A_328, %reduce_sum3A_329 [1] : vector<512x8xf32> to vector<512xf32>
    %broadcast_in_dim3A_331 = vector.shape_cast %reduce_sum3A_330 : vector<512xf32> to vector<512x1xf32>
    %sub3A_332 = arith.constant 1.000000e+00 : f32
    %sub3A_333 = vector.broadcast %sub3A_332 : f32 to vector<512x1xf32>
    %sub3A_334 = arith.subf %broadcast_in_dim3A_331, %sub3A_333 : vector<512x1xf32>
    %slice3A_335 = vector.extract_strided_slice %mul3A_327 {offsets = [0, 8], sizes = [512, 8], strides = [1, 1]} : vector<512x16xf32> to vector<512x8xf32>
    %reduce_sum3A_336 = arith.constant dense<0.000000e+00> : vector<512xf32>
    %reduce_sum3A_337 = vector.multi_reduction <add>, %slice3A_335, %reduce_sum3A_336 [1] : vector<512x8xf32> to vector<512xf32>
    %broadcast_in_dim3A_338 = vector.shape_cast %reduce_sum3A_337 : vector<512xf32> to vector<512x1xf32>
    %sub3A_339 = arith.constant 1.000000e+00 : f32
    %sub3A_340 = vector.broadcast %sub3A_339 : f32 to vector<512x1xf32>
    %sub3A_341 = arith.subf %broadcast_in_dim3A_338, %sub3A_340 : vector<512x1xf32>
    %reduce_sum3A_342 = arith.constant dense<0.000000e+00> : vector<16xf32>
    %reduce_sum3A_343 = vector.multi_reduction <add>, %slice3A_322, %reduce_sum3A_342 [0] : vector<512x16xf32> to vector<16xf32>
    %broadcast_in_dim3A_344 = vector.shape_cast %reduce_sum3A_343 : vector<16xf32> to vector<1x16xf32>
    %add3A_345 = arith.addf %add3A_321, %broadcast_in_dim3A_344 : vector<1x16xf32>
    %slice3A_346 = vector.extract_strided_slice %concatenate3A {offsets = [2048, 0], sizes = [512, 16], strides = [1, 1]} : vector<4096x16xf32> to vector<512x16xf32>
    %dot_general3A_347 = arith.constant dense<0.000000e+00> : vector<512x16xf32>
    %dot_general3A_348 = tpu.matmul %convert_element_type3A_248, %slice3A_346, %dot_general3A_347 {dimension_numbers = #tpu.dot_dimension_numbers<[1], [0], [0], [1], [0, 0, 1, 1], [], []>, transpose_lhs_hint = false} : vector<512x512xf32>, vector<512x16xf32>, vector<512x16xf32> -> vector<512x16xf32>
    %add3A_349 = vector.broadcast %add3A_345 : vector<1x16xf32> to vector<512x16xf32>
    %add3A_350 = arith.addf %dot_general3A_348, %add3A_349 : vector<512x16xf32>
    %mul3A_351 = arith.mulf %slice3A_346, %add3A_350 : vector<512x16xf32>
    %slice3A_352 = vector.extract_strided_slice %mul3A_351 {offsets = [0, 0], sizes = [512, 8], strides = [1, 1]} : vector<512x16xf32> to vector<512x8xf32>
    %reduce_sum3A_353 = arith.constant dense<0.000000e+00> : vector<512xf32>
    %reduce_sum3A_354 = vector.multi_reduction <add>, %slice3A_352, %reduce_sum3A_353 [1] : vector<512x8xf32> to vector<512xf32>
    %broadcast_in_dim3A_355 = vector.shape_cast %reduce_sum3A_354 : vector<512xf32> to vector<512x1xf32>
    %sub3A_356 = arith.constant 1.000000e+00 : f32
    %sub3A_357 = vector.broadcast %sub3A_356 : f32 to vector<512x1xf32>
    %sub3A_358 = arith.subf %broadcast_in_dim3A_355, %sub3A_357 : vector<512x1xf32>
    %slice3A_359 = vector.extract_strided_slice %mul3A_351 {offsets = [0, 8], sizes = [512, 8], strides = [1, 1]} : vector<512x16xf32> to vector<512x8xf32>
    %reduce_sum3A_360 = arith.constant dense<0.000000e+00> : vector<512xf32>
    %reduce_sum3A_361 = vector.multi_reduction <add>, %slice3A_359, %reduce_sum3A_360 [1] : vector<512x8xf32> to vector<512xf32>
    %broadcast_in_dim3A_362 = vector.shape_cast %reduce_sum3A_361 : vector<512xf32> to vector<512x1xf32>
    %sub3A_363 = arith.constant 1.000000e+00 : f32
    %sub3A_364 = vector.broadcast %sub3A_363 : f32 to vector<512x1xf32>
    %sub3A_365 = arith.subf %broadcast_in_dim3A_362, %sub3A_364 : vector<512x1xf32>
    %reduce_sum3A_366 = arith.constant dense<0.000000e+00> : vector<16xf32>
    %reduce_sum3A_367 = vector.multi_reduction <add>, %slice3A_346, %reduce_sum3A_366 [0] : vector<512x16xf32> to vector<16xf32>
    %broadcast_in_dim3A_368 = vector.shape_cast %reduce_sum3A_367 : vector<16xf32> to vector<1x16xf32>
    %add3A_369 = arith.addf %add3A_345, %broadcast_in_dim3A_368 : vector<1x16xf32>
    %slice3A_370 = vector.extract_strided_slice %concatenate3A {offsets = [2560, 0], sizes = [512, 16], strides = [1, 1]} : vector<4096x16xf32> to vector<512x16xf32>
    %dot_general3A_371 = arith.constant dense<0.000000e+00> : vector<512x16xf32>
    %dot_general3A_372 = tpu.matmul %convert_element_type3A_248, %slice3A_370, %dot_general3A_371 {dimension_numbers = #tpu.dot_dimension_numbers<[1], [0], [0], [1], [0, 0, 1, 1], [], []>, transpose_lhs_hint = false} : vector<512x512xf32>, vector<512x16xf32>, vector<512x16xf32> -> vector<512x16xf32>
    %add3A_373 = vector.broadcast %add3A_369 : vector<1x16xf32> to vector<512x16xf32>
    %add3A_374 = arith.addf %dot_general3A_372, %add3A_373 : vector<512x16xf32>
    %mul3A_375 = arith.mulf %slice3A_370, %add3A_374 : vector<512x16xf32>
    %slice3A_376 = vector.extract_strided_slice %mul3A_375 {offsets = [0, 0], sizes = [512, 8], strides = [1, 1]} : vector<512x16xf32> to vector<512x8xf32>
    %reduce_sum3A_377 = arith.constant dense<0.000000e+00> : vector<512xf32>
    %reduce_sum3A_378 = vector.multi_reduction <add>, %slice3A_376, %reduce_sum3A_377 [1] : vector<512x8xf32> to vector<512xf32>
    %broadcast_in_dim3A_379 = vector.shape_cast %reduce_sum3A_378 : vector<512xf32> to vector<512x1xf32>
    %sub3A_380 = arith.constant 1.000000e+00 : f32
    %sub3A_381 = vector.broadcast %sub3A_380 : f32 to vector<512x1xf32>
    %sub3A_382 = arith.subf %broadcast_in_dim3A_379, %sub3A_381 : vector<512x1xf32>
    %slice3A_383 = vector.extract_strided_slice %mul3A_375 {offsets = [0, 8], sizes = [512, 8], strides = [1, 1]} : vector<512x16xf32> to vector<512x8xf32>
    %reduce_sum3A_384 = arith.constant dense<0.000000e+00> : vector<512xf32>
    %reduce_sum3A_385 = vector.multi_reduction <add>, %slice3A_383, %reduce_sum3A_384 [1] : vector<512x8xf32> to vector<512xf32>
    %broadcast_in_dim3A_386 = vector.shape_cast %reduce_sum3A_385 : vector<512xf32> to vector<512x1xf32>
    %sub3A_387 = arith.constant 1.000000e+00 : f32
    %sub3A_388 = vector.broadcast %sub3A_387 : f32 to vector<512x1xf32>
    %sub3A_389 = arith.subf %broadcast_in_dim3A_386, %sub3A_388 : vector<512x1xf32>
    %reduce_sum3A_390 = arith.constant dense<0.000000e+00> : vector<16xf32>
    %reduce_sum3A_391 = vector.multi_reduction <add>, %slice3A_370, %reduce_sum3A_390 [0] : vector<512x16xf32> to vector<16xf32>
    %broadcast_in_dim3A_392 = vector.shape_cast %reduce_sum3A_391 : vector<16xf32> to vector<1x16xf32>
    %add3A_393 = arith.addf %add3A_369, %broadcast_in_dim3A_392 : vector<1x16xf32>
    %slice3A_394 = vector.extract_strided_slice %concatenate3A {offsets = [3072, 0], sizes = [512, 16], strides = [1, 1]} : vector<4096x16xf32> to vector<512x16xf32>
    %dot_general3A_395 = arith.constant dense<0.000000e+00> : vector<512x16xf32>
    %dot_general3A_396 = tpu.matmul %convert_element_type3A_248, %slice3A_394, %dot_general3A_395 {dimension_numbers = #tpu.dot_dimension_numbers<[1], [0], [0], [1], [0, 0, 1, 1], [], []>, transpose_lhs_hint = false} : vector<512x512xf32>, vector<512x16xf32>, vector<512x16xf32> -> vector<512x16xf32>
    %add3A_397 = vector.broadcast %add3A_393 : vector<1x16xf32> to vector<512x16xf32>
    %add3A_398 = arith.addf %dot_general3A_396, %add3A_397 : vector<512x16xf32>
    %mul3A_399 = arith.mulf %slice3A_394, %add3A_398 : vector<512x16xf32>
    %slice3A_400 = vector.extract_strided_slice %mul3A_399 {offsets = [0, 0], sizes = [512, 8], strides = [1, 1]} : vector<512x16xf32> to vector<512x8xf32>
    %reduce_sum3A_401 = arith.constant dense<0.000000e+00> : vector<512xf32>
    %reduce_sum3A_402 = vector.multi_reduction <add>, %slice3A_400, %reduce_sum3A_401 [1] : vector<512x8xf32> to vector<512xf32>
    %broadcast_in_dim3A_403 = vector.shape_cast %reduce_sum3A_402 : vector<512xf32> to vector<512x1xf32>
    %sub3A_404 = arith.constant 1.000000e+00 : f32
    %sub3A_405 = vector.broadcast %sub3A_404 : f32 to vector<512x1xf32>
    %sub3A_406 = arith.subf %broadcast_in_dim3A_403, %sub3A_405 : vector<512x1xf32>
    %slice3A_407 = vector.extract_strided_slice %mul3A_399 {offsets = [0, 8], sizes = [512, 8], strides = [1, 1]} : vector<512x16xf32> to vector<512x8xf32>
    %reduce_sum3A_408 = arith.constant dense<0.000000e+00> : vector<512xf32>
    %reduce_sum3A_409 = vector.multi_reduction <add>, %slice3A_407, %reduce_sum3A_408 [1] : vector<512x8xf32> to vector<512xf32>
    %broadcast_in_dim3A_410 = vector.shape_cast %reduce_sum3A_409 : vector<512xf32> to vector<512x1xf32>
    %sub3A_411 = arith.constant 1.000000e+00 : f32
    %sub3A_412 = vector.broadcast %sub3A_411 : f32 to vector<512x1xf32>
    %sub3A_413 = arith.subf %broadcast_in_dim3A_410, %sub3A_412 : vector<512x1xf32>
    %reduce_sum3A_414 = arith.constant dense<0.000000e+00> : vector<16xf32>
    %reduce_sum3A_415 = vector.multi_reduction <add>, %slice3A_394, %reduce_sum3A_414 [0] : vector<512x16xf32> to vector<16xf32>
    %broadcast_in_dim3A_416 = vector.shape_cast %reduce_sum3A_415 : vector<16xf32> to vector<1x16xf32>
    %add3A_417 = arith.addf %add3A_393, %broadcast_in_dim3A_416 : vector<1x16xf32>
    %slice3A_418 = vector.extract_strided_slice %concatenate3A {offsets = [3584, 0], sizes = [512, 16], strides = [1, 1]} : vector<4096x16xf32> to vector<512x16xf32>
    %dot_general3A_419 = arith.constant dense<0.000000e+00> : vector<512x16xf32>
    %dot_general3A_420 = tpu.matmul %convert_element_type3A_248, %slice3A_418, %dot_general3A_419 {dimension_numbers = #tpu.dot_dimension_numbers<[1], [0], [0], [1], [0, 0, 1, 1], [], []>, transpose_lhs_hint = false} : vector<512x512xf32>, vector<512x16xf32>, vector<512x16xf32> -> vector<512x16xf32>
    %add3A_421 = vector.broadcast %add3A_417 : vector<1x16xf32> to vector<512x16xf32>
    %add3A_422 = arith.addf %dot_general3A_420, %add3A_421 : vector<512x16xf32>
    %mul3A_423 = arith.mulf %slice3A_418, %add3A_422 : vector<512x16xf32>
    %slice3A_424 = vector.extract_strided_slice %mul3A_423 {offsets = [0, 0], sizes = [512, 8], strides = [1, 1]} : vector<512x16xf32> to vector<512x8xf32>
    %reduce_sum3A_425 = arith.constant dense<0.000000e+00> : vector<512xf32>
    %reduce_sum3A_426 = vector.multi_reduction <add>, %slice3A_424, %reduce_sum3A_425 [1] : vector<512x8xf32> to vector<512xf32>
    %broadcast_in_dim3A_427 = vector.shape_cast %reduce_sum3A_426 : vector<512xf32> to vector<512x1xf32>
    %sub3A_428 = arith.constant 1.000000e+00 : f32
    %sub3A_429 = vector.broadcast %sub3A_428 : f32 to vector<512x1xf32>
    %sub3A_430 = arith.subf %broadcast_in_dim3A_427, %sub3A_429 : vector<512x1xf32>
    %slice3A_431 = vector.extract_strided_slice %mul3A_423 {offsets = [0, 8], sizes = [512, 8], strides = [1, 1]} : vector<512x16xf32> to vector<512x8xf32>
    %reduce_sum3A_432 = arith.constant dense<0.000000e+00> : vector<512xf32>
    %reduce_sum3A_433 = vector.multi_reduction <add>, %slice3A_431, %reduce_sum3A_432 [1] : vector<512x8xf32> to vector<512xf32>
    %broadcast_in_dim3A_434 = vector.shape_cast %reduce_sum3A_433 : vector<512xf32> to vector<512x1xf32>
    %sub3A_435 = arith.constant 1.000000e+00 : f32
    %sub3A_436 = vector.broadcast %sub3A_435 : f32 to vector<512x1xf32>
    %sub3A_437 = arith.subf %broadcast_in_dim3A_434, %sub3A_436 : vector<512x1xf32>
    %concatenate3A_438 = tpu.concatenate %sub3A_262, %sub3A_286, %sub3A_310, %sub3A_334, %sub3A_358, %sub3A_382, %sub3A_406, %sub3A_430 in 0 : vector<512x1xf32>, vector<512x1xf32>, vector<512x1xf32>, vector<512x1xf32>, vector<512x1xf32>, vector<512x1xf32>, vector<512x1xf32>, vector<512x1xf32> -> vector<4096x1xf32>
    %concatenate3A_439 = tpu.concatenate %sub3A_269, %sub3A_293, %sub3A_317, %sub3A_341, %sub3A_365, %sub3A_389, %sub3A_413, %sub3A_437 in 0 : vector<512x1xf32>, vector<512x1xf32>, vector<512x1xf32>, vector<512x1xf32>, vector<512x1xf32>, vector<512x1xf32>, vector<512x1xf32>, vector<512x1xf32> -> vector<4096x1xf32>
    %mul3A_440 = vector.broadcast %broadcast_in_dim3A_228 : vector<1x8xf32> to vector<4096x8xf32>
    %mul3A_441 = arith.mulf %convert_element_type3A_50, %mul3A_440 : vector<4096x8xf32>
    %reduce_sum3A_442 = arith.constant dense<0.000000e+00> : vector<4096xf32>
    %reduce_sum3A_443 = vector.multi_reduction <add>, %mul3A_441, %reduce_sum3A_442 [1] : vector<4096x8xf32> to vector<4096xf32>
    %broadcast_in_dim3A_444 = vector.shape_cast %reduce_sum3A_443 : vector<4096xf32> to vector<4096x1xf32>
    %add3A_445 = arith.addf %concatenate3A_439, %broadcast_in_dim3A_444 : vector<4096x1xf32>
    %mul3A_446 = vector.broadcast %dot_general3A_244 : vector<1x8xf32> to vector<4096x8xf32>
    %mul3A_447 = arith.mulf %convert_element_type3A_46, %mul3A_446 : vector<4096x8xf32>
    %reduce_sum3A_448 = arith.constant dense<0.000000e+00> : vector<4096xf32>
    %reduce_sum3A_449 = vector.multi_reduction <add>, %mul3A_447, %reduce_sum3A_448 [1] : vector<4096x8xf32> to vector<4096xf32>
    %broadcast_in_dim3A_450 = vector.shape_cast %reduce_sum3A_449 : vector<4096xf32> to vector<4096x1xf32>
    %add3A_451 = arith.addf %broadcast_in_dim3A_450, %concatenate3A_438 : vector<4096x1xf32>
    %mul3A_452 = vector.broadcast %dot_general3A_244 : vector<1x8xf32> to vector<4096x8xf32>
    %mul3A_453 = arith.mulf %convert_element_type3A_50, %mul3A_452 : vector<4096x8xf32>
    %reduce_sum3A_454 = arith.constant dense<0.000000e+00> : vector<4096xf32>
    %reduce_sum3A_455 = vector.multi_reduction <add>, %mul3A_453, %reduce_sum3A_454 [1] : vector<4096x8xf32> to vector<4096xf32>
    %broadcast_in_dim3A_456 = vector.shape_cast %reduce_sum3A_455 : vector<4096xf32> to vector<4096x1xf32>
    %add3A_457 = arith.addf %broadcast_in_dim3A_456, %add3A_445 : vector<4096x1xf32>
    %convert_element_type3A_458 = arith.fptosi %add3A_451 : vector<4096x1xf32> to vector<4096x1xi32>
    %swap3A_459 = arith.constant 0 : index
    %swap3A_460 = arith.constant 0 : index
    %swap3A_461 = vector.load %arg7[%swap3A_459, %swap3A_460] : memref<4096x1xi32, #tpu.memory_space<vmem>>, vector<4096x1xi32>
    tpu.vector_store %arg7[%swap3A_459, %swap3A_460], %convert_element_type3A_458 {strides = array<i32>} : memref<4096x1xi32, #tpu.memory_space<vmem>>, vector<4096x1xi32>,
    %convert_element_type3A_462 = arith.fptosi %add3A_457 : vector<4096x1xf32> to vector<4096x1xi32>
    %swap3A_463 = arith.constant 0 : index
    %swap3A_464 = arith.constant 0 : index
    %swap3A_465 = vector.load %arg8[%swap3A_463, %swap3A_464] : memref<4096x1xi32, #tpu.memory_space<vmem>>, vector<4096x1xi32>
    tpu.vector_store %arg8[%swap3A_463, %swap3A_464], %convert_element_type3A_462 {strides = array<i32>} : memref<4096x1xi32, #tpu.memory_space<vmem>>, vector<4096x1xi32>,
    %iota3A_466 = tpu.iota {dimensions = array<i32: 0>} : vector<128x1xi32>
    %mul3A_467 = arith.constant 256 : i32
    %mul3A_468 = vector.broadcast %mul3A_467 : i32 to vector<128x1xi32>
    %mul3A_469 = arith.muli %iota3A_466, %mul3A_468 : vector<128x1xi32>
    %convert_element_type3A_470 = arith.sitofp %mul3A_469 : vector<128x1xi32> to vector<128x1xf32>
    %le3A = vector.broadcast %dot_general3A_244 : vector<1x8xf32> to vector<128x8xf32>
    %le3A_471 = vector.broadcast %convert_element_type3A_470 : vector<128x1xf32> to vector<128x8xf32>
    %le3A_472 = arith.cmpf ole, %le3A, %le3A_471 : vector<128x8xf32>
    %convert_element_type3A_473 = arith.extui %le3A_472 : vector<128x8xi1> to vector<128x8xi32>
    %reduce_sum3A_474 = arith.constant dense<0> : vector<128xi32>
    %reduce_sum3A_475 = vector.multi_reduction <add>, %convert_element_type3A_473, %reduce_sum3A_474 [1] : vector<128x8xi32> to vector<128xi32>
    %broadcast_in_dim3A_476 = vector.shape_cast %reduce_sum3A_475 : vector<128xi32> to vector<128x1xi32>
    %sub3A_477 = arith.constant 1 : i32
    %sub3A_478 = vector.broadcast %sub3A_477 : i32 to vector<128x1xi32>
    %sub3A_479 = arith.subi %broadcast_in_dim3A_476, %sub3A_478 : vector<128x1xi32>
    %jit3A_480 = arith.constant 0 : i32
    %jit3A_481 = arith.constant 7 : i32
    %max3A = vector.broadcast %jit3A_480 : i32 to vector<128x1xi32>
    %max3A_482 = arith.maxsi %max3A, %sub3A_479 : vector<128x1xi32>
    %min3A = vector.broadcast %jit3A_481 : i32 to vector<128x1xi32>
    %min3A_483 = arith.minsi %min3A, %max3A_482 : vector<128x1xi32>
    %broadcast_in_dim3A_484 = arith.constant -1 : i32
    %broadcast_in_dim3A_485 = vector.broadcast %broadcast_in_dim3A_484 : i32 to vector<1x1xi32>
    %slice3A_486 = vector.extract_strided_slice %min3A_483 {offsets = [0, 0], sizes = [127, 1], strides = [1, 1]} : vector<128x1xi32> to vector<127x1xi32>
    %concatenate3A_487 = tpu.concatenate %broadcast_in_dim3A_485, %slice3A_486 in 0 : vector<1x1xi32>, vector<127x1xi32> -> vector<128x1xi32>
    %ne3A = arith.cmpi ne, %min3A_483, %concatenate3A_487 : vector<128x1xi32>
    %convert_element_type3A_488 = arith.extui %ne3A : vector<128x1xi1> to vector<128x1xi32>
    %convert_element_type3A_489 = arith.sitofp %convert_element_type3A_488 : vector<128x1xi32> to vector<128x1xf32>
    %iota3A_490 = tpu.iota {dimensions = array<i32: 0>} : vector<128x128xi32>
    %iota3A_491 = tpu.iota {dimensions = array<i32: 1>} : vector<128x128xi32>
    %ge3A_492 = arith.cmpi sge, %iota3A_490, %iota3A_491 : vector<128x128xi32>
    %convert_element_type3A_493 = arith.extui %ge3A_492 : vector<128x128xi1> to vector<128x128xi32>
    %convert_element_type3A_494 = arith.sitofp %convert_element_type3A_493 : vector<128x128xi32> to vector<128x128xf32>
    %dot_general3A_495 = arith.constant dense<0.000000e+00> : vector<128x1xf32>
    %dot_general3A_496 = tpu.matmul %convert_element_type3A_494, %convert_element_type3A_489, %dot_general3A_495 {dimension_numbers = #tpu.dot_dimension_numbers<[1], [0], [0], [1], [0, 0, 1, 1], [], []>, transpose_lhs_hint = false} : vector<128x128xf32>, vector<128x1xf32>, vector<128x1xf32> -> vector<128x1xf32>
    %convert_element_type3A_497 = arith.fptosi %dot_general3A_496 : vector<128x1xf32> to vector<128x1xi32>
    %sub3A_498 = arith.constant 1 : i32
    %sub3A_499 = vector.broadcast %sub3A_498 : i32 to vector<128x1xi32>
    %sub3A_500 = arith.subi %convert_element_type3A_497, %sub3A_499 : vector<128x1xi32>
    %and3A = arith.constant 1 : i32
    %and3A_501 = vector.broadcast %and3A : i32 to vector<128x1xi32>
    %and3A_502 = arith.andi %sub3A_500, %and3A_501 : vector<128x1xi32>
    %transpose3A = tpu.transpose %convert_element_type3A_489, [1, 0] : vector<128x1xf32> -> vector<1x128xf32>
    %iota3A_503 = tpu.iota {dimensions = array<i32: 1>} : vector<1x128xi32>
    %gt3A = vector.broadcast %iota3A_503 : vector<1x128xi32> to vector<128x128xi32>
    %gt3A_504 = vector.broadcast %iota3A_466 : vector<128x1xi32> to vector<128x128xi32>
    %gt3A_505 = arith.cmpi sgt, %gt3A, %gt3A_504 : vector<128x128xi32>
    %gt3A_506 = arith.constant 0.000000e+00 : f32
    %gt3A_507 = vector.broadcast %gt3A_506 : f32 to vector<1x128xf32>
    %gt3A_508 = arith.cmpf ogt, %transpose3A, %gt3A_507 : vector<1x128xf32>
    %and3A_509 = vector.broadcast %gt3A_508 : vector<1x128xi1> to vector<128x128xi1>
    %and3A_510 = arith.andi %gt3A_505, %and3A_509 : vector<128x128xi1>
    %lt3A_511 = arith.constant 39 : i32
    %lt3A_512 = vector.broadcast %lt3A_511 : i32 to vector<1x128xi32>
    %lt3A_513 = arith.cmpi slt, %iota3A_503, %lt3A_512 : vector<1x128xi32>
    %and3A_514 = vector.broadcast %lt3A_513 : vector<1x128xi1> to vector<128x128xi1>
    %and3A_515 = arith.andi %and3A_510, %and3A_514 : vector<128x128xi1>
    %jit3A_516 = arith.constant 128 : i32
    %broadcast_in_dim3A_517 = vector.shape_cast %iota3A_503 : vector<1x128xi32> to vector<1x128xi32>
    %broadcast_in_dim3A_518 = vector.broadcast %broadcast_in_dim3A_517 : vector<1x128xi32> to vector<128x128xi32>
    %broadcast_in_dim3A_519 = vector.broadcast %jit3A_516 : i32 to vector<128x128xi32>
    %select_n3A_520 = arith.select %and3A_515, %broadcast_in_dim3A_518, %broadcast_in_dim3A_519 : vector<128x128xi1>, vector<128x128xi32>
    %reduce_min3A_521 = arith.constant dense<2147483647> : vector<128xi32>
    %reduce_min3A_522 = vector.multi_reduction <minsi>, %select_n3A_520, %reduce_min3A_521 [1] : vector<128x128xi32> to vector<128xi32>
    %broadcast_in_dim3A_523 = vector.shape_cast %reduce_min3A_522 : vector<128xi32> to vector<128x1xi32>
    %convert_element_type3A_524 = arith.sitofp %min3A_483 : vector<128x1xi32> to vector<128x1xf32>
    %transpose3A_525 = tpu.transpose %convert_element_type3A_524, [1, 0] : vector<128x1xf32> -> vector<1x128xf32>
    %eq3A_526 = vector.broadcast %iota3A_503 : vector<1x128xi32> to vector<128x128xi32>
    %eq3A_527 = vector.broadcast %broadcast_in_dim3A_523 : vector<128x1xi32> to vector<128x128xi32>
    %eq3A_528 = arith.cmpi eq, %eq3A_526, %eq3A_527 : vector<128x128xi32>
    %jit3A_529 = arith.constant 0.000000e+00 : f32
    %broadcast_in_dim3A_530 = vector.shape_cast %transpose3A_525 : vector<1x128xf32> to vector<1x128xf32>
    %broadcast_in_dim3A_531 = vector.broadcast %broadcast_in_dim3A_530 : vector<1x128xf32> to vector<128x128xf32>
    %broadcast_in_dim3A_532 = vector.broadcast %jit3A_529 : f32 to vector<128x128xf32>
    %select_n3A_533 = arith.select %eq3A_528, %broadcast_in_dim3A_531, %broadcast_in_dim3A_532 : vector<128x128xi1>, vector<128x128xf32>
    %reduce_sum3A_534 = arith.constant dense<0.000000e+00> : vector<128xf32>
    %reduce_sum3A_535 = vector.multi_reduction <add>, %select_n3A_533, %reduce_sum3A_534 [1] : vector<128x128xf32> to vector<128xf32>
    %broadcast_in_dim3A_536 = vector.shape_cast %reduce_sum3A_535 : vector<128xf32> to vector<128x1xf32>
    %convert_element_type3A_537 = arith.fptosi %broadcast_in_dim3A_536 : vector<128x1xf32> to vector<128x1xi32>
    %lt3A_538 = arith.constant 39 : i32
    %lt3A_539 = vector.broadcast %lt3A_538 : i32 to vector<128x1xi32>
    %lt3A_540 = arith.cmpi slt, %broadcast_in_dim3A_523, %lt3A_539 : vector<128x1xi32>
    %jit3A_541 = arith.constant 8 : i32
    %broadcast_in_dim3A_542 = vector.broadcast %jit3A_541 : i32 to vector<128x1xi32>
    %select_n3A_543 = arith.select %lt3A_540, %convert_element_type3A_537, %broadcast_in_dim3A_542 : vector<128x1xi1>, vector<128x1xi32>
    %convert_element_type3A_544 = arith.fptosi %convert_element_type3A_489 : vector<128x1xf32> to vector<128x1xi32>
    %concatenate3A_545 = tpu.concatenate %min3A_483, %convert_element_type3A_544, %and3A_502, %select_n3A_543 in 1 : vector<128x1xi32>, vector<128x1xi32>, vector<128x1xi32>, vector<128x1xi32> -> vector<128x4xi32>
    %swap3A_546 = arith.constant 0 : index
    %swap3A_547 = arith.constant 0 : index
    %swap3A_548 = vector.load %arg9[%swap3A_546, %swap3A_547] : memref<128x4xi32, #tpu.memory_space<vmem>>, vector<128x4xi32>
    tpu.vector_store %arg9[%swap3A_546, %swap3A_547], %concatenate3A_545 {strides = array<i32>} : memref<128x4xi32, #tpu.memory_space<vmem>>, vector<128x4xi32>,
    return
  }
}

module attributes {stable_mosaic.version = 14 : i64} {
  func.func @_group_body(%arg0: i32, %arg1: memref<39xi32, #tpu.memory_space<smem>>, %arg2: memref<39xi32, #tpu.memory_space<smem>>, %arg3: memref<39xi32, #tpu.memory_space<smem>>, %arg4: memref<39xi32, #tpu.memory_space<smem>>, %arg5: memref<256x768xf32, #tpu.memory_space<vmem>>, %arg6: memref<8x768x2048xf32, #tpu.memory_space<any>>, %arg7: memref<8x2048x768xf32, #tpu.memory_space<any>>, %arg8: memref<1x1x2048xf32, #tpu.memory_space<vmem>>, %arg9: memref<1x1x768xf32, #tpu.memory_space<vmem>>, %arg10: memref<256x768xf32, #tpu.memory_space<vmem>>, %arg11: memref<2x768x2048xf32, #tpu.memory_space<vmem>>, %arg12: memref<2x2048x768xf32, #tpu.memory_space<vmem>>, %arg13: memref<2x!tpu.dma_semaphore, #tpu.memory_space<semaphore_mem>>, %arg14: memref<2x!tpu.dma_semaphore, #tpu.memory_space<semaphore_mem>>) attributes {dimension_semantics = [#tpu.dimension_semantics<arbitrary>], iteration_bounds = array<i64: 39>, scalar_prefetch = 4 : i64, scratch_operands = 4 : i64, tpu.core_type = #tpu.core_type<tc>, window_params = [{transform_indices = @transform_0, window_bounds = array<i64: 256, 768>}, {}, {}, {transform_indices = @transform_3, window_bounds = array<i64: 1, 1, 2048>}, {transform_indices = @transform_4, window_bounds = array<i64: 1, 1, 768>}, {transform_indices = @transform_5, window_bounds = array<i64: 256, 768>}]} {
    %get3A = arith.index_cast %arg0 : i32 to index
    %get3A_0 = memref.load %arg1[%get3A] : memref<39xi32, #tpu.memory_space<smem>>
    %get3A_1 = arith.index_cast %arg0 : i32 to index
    %get3A_2 = memref.load %arg3[%get3A_1] : memref<39xi32, #tpu.memory_space<smem>>
    %eq3A = arith.constant 0 : i32
    %eq3A_3 = arith.cmpi eq, %arg0, %eq3A : i32
    %convert_element_type3A = arith.extui %eq3A_3 : i1 to i32
    %cond3A = arith.constant 0 : i32
    %cond3A_4 = arith.cmpi ne, %convert_element_type3A, %cond3A : i32
    scf.if %cond3A_4 {
      %dma_start3A = tpu.memref_slice %arg13[%get3A_2] : memref<2x!tpu.dma_semaphore, #tpu.memory_space<semaphore_mem>> -> memref<1x!tpu.dma_semaphore, #tpu.memory_space<semaphore_mem>>
      %dma_start3A_45 = tpu.memref_squeeze %dma_start3A : memref<1x!tpu.dma_semaphore, #tpu.memory_space<semaphore_mem>> -> memref<!tpu.dma_semaphore, #tpu.memory_space<semaphore_mem>>
      %dma_start3A_46 = arith.constant 0 : i32
      %dma_start3A_47 = arith.constant 0 : i32
      %dma_start3A_48 = tpu.memref_slice %arg11[%get3A_2, %dma_start3A_46, %dma_start3A_47] : memref<2x768x2048xf32, #tpu.memory_space<vmem>> -> memref<1x768x2048xf32, #tpu.memory_space<vmem>>
      %dma_start3A_49 = tpu.memref_squeeze %dma_start3A_48 : memref<1x768x2048xf32, #tpu.memory_space<vmem>> -> memref<768x2048xf32, #tpu.memory_space<vmem>>
      %dma_start3A_50 = arith.constant 0 : i32
      %dma_start3A_51 = arith.constant 0 : i32
      %dma_start3A_52 = tpu.memref_slice %arg6[%get3A_0, %dma_start3A_50, %dma_start3A_51] : memref<8x768x2048xf32, #tpu.memory_space<any>> -> memref<1x768x2048xf32, #tpu.memory_space<any>>
      %dma_start3A_53 = tpu.memref_squeeze %dma_start3A_52 : memref<1x768x2048xf32, #tpu.memory_space<any>> -> memref<768x2048xf32, #tpu.memory_space<any>>
      tpu.enqueue_dma source(%dma_start3A_53 : memref<768x2048xf32, #tpu.memory_space<any>>) target(%dma_start3A_49 : memref<768x2048xf32, #tpu.memory_space<vmem>>) target_semaphore(%dma_start3A_45 : memref<!tpu.dma_semaphore, #tpu.memory_space<semaphore_mem>>)
      %dma_start3A_54 = tpu.memref_slice %arg14[%get3A_2] : memref<2x!tpu.dma_semaphore, #tpu.memory_space<semaphore_mem>> -> memref<1x!tpu.dma_semaphore, #tpu.memory_space<semaphore_mem>>
      %dma_start3A_55 = tpu.memref_squeeze %dma_start3A_54 : memref<1x!tpu.dma_semaphore, #tpu.memory_space<semaphore_mem>> -> memref<!tpu.dma_semaphore, #tpu.memory_space<semaphore_mem>>
      %dma_start3A_56 = arith.constant 0 : i32
      %dma_start3A_57 = arith.constant 0 : i32
      %dma_start3A_58 = tpu.memref_slice %arg12[%get3A_2, %dma_start3A_56, %dma_start3A_57] : memref<2x2048x768xf32, #tpu.memory_space<vmem>> -> memref<1x2048x768xf32, #tpu.memory_space<vmem>>
      %dma_start3A_59 = tpu.memref_squeeze %dma_start3A_58 : memref<1x2048x768xf32, #tpu.memory_space<vmem>> -> memref<2048x768xf32, #tpu.memory_space<vmem>>
      %dma_start3A_60 = arith.constant 0 : i32
      %dma_start3A_61 = arith.constant 0 : i32
      %dma_start3A_62 = tpu.memref_slice %arg7[%get3A_0, %dma_start3A_60, %dma_start3A_61] : memref<8x2048x768xf32, #tpu.memory_space<any>> -> memref<1x2048x768xf32, #tpu.memory_space<any>>
      %dma_start3A_63 = tpu.memref_squeeze %dma_start3A_62 : memref<1x2048x768xf32, #tpu.memory_space<any>> -> memref<2048x768xf32, #tpu.memory_space<any>>
      tpu.enqueue_dma source(%dma_start3A_63 : memref<2048x768xf32, #tpu.memory_space<any>>) target(%dma_start3A_59 : memref<2048x768xf32, #tpu.memory_space<vmem>>) target_semaphore(%dma_start3A_55 : memref<!tpu.dma_semaphore, #tpu.memory_space<semaphore_mem>>)
    } else {
    }
    %get3A_5 = arith.index_cast %arg0 : i32 to index
    %get3A_6 = memref.load %arg2[%get3A_5] : memref<39xi32, #tpu.memory_space<smem>>
    %eq3A_7 = arith.constant 1 : i32
    %eq3A_8 = arith.cmpi eq, %get3A_6, %eq3A_7 : i32
    %convert_element_type3A_9 = arith.extui %eq3A_8 : i1 to i32
    %cond3A_10 = arith.constant 0 : i32
    %cond3A_11 = arith.cmpi ne, %convert_element_type3A_9, %cond3A_10 : i32
    scf.if %cond3A_11 {
      %get3A_45 = arith.index_cast %arg0 : i32 to index
      %get3A_46 = memref.load %arg4[%get3A_45] : memref<39xi32, #tpu.memory_space<smem>>
      %lt3A = arith.constant 8 : i32
      %lt3A_47 = arith.cmpi slt, %get3A_46, %lt3A : i32
      %convert_element_type3A_48 = arith.extui %lt3A_47 : i1 to i32
      %cond3A_49 = arith.constant 0 : i32
      %cond3A_50 = arith.cmpi ne, %convert_element_type3A_48, %cond3A_49 : i32
      scf.if %cond3A_50 {
        %sub3A = arith.constant 1 : i32
        %sub3A_70 = arith.subi %sub3A, %get3A_2 : i32
        %dma_start3A = tpu.memref_slice %arg13[%sub3A_70] : memref<2x!tpu.dma_semaphore, #tpu.memory_space<semaphore_mem>> -> memref<1x!tpu.dma_semaphore, #tpu.memory_space<semaphore_mem>>
        %dma_start3A_71 = tpu.memref_squeeze %dma_start3A : memref<1x!tpu.dma_semaphore, #tpu.memory_space<semaphore_mem>> -> memref<!tpu.dma_semaphore, #tpu.memory_space<semaphore_mem>>
        %dma_start3A_72 = arith.constant 0 : i32
        %dma_start3A_73 = arith.constant 0 : i32
        %dma_start3A_74 = tpu.memref_slice %arg11[%sub3A_70, %dma_start3A_72, %dma_start3A_73] : memref<2x768x2048xf32, #tpu.memory_space<vmem>> -> memref<1x768x2048xf32, #tpu.memory_space<vmem>>
        %dma_start3A_75 = tpu.memref_squeeze %dma_start3A_74 : memref<1x768x2048xf32, #tpu.memory_space<vmem>> -> memref<768x2048xf32, #tpu.memory_space<vmem>>
        %dma_start3A_76 = arith.constant 0 : i32
        %dma_start3A_77 = arith.constant 0 : i32
        %dma_start3A_78 = tpu.memref_slice %arg6[%get3A_46, %dma_start3A_76, %dma_start3A_77] : memref<8x768x2048xf32, #tpu.memory_space<any>> -> memref<1x768x2048xf32, #tpu.memory_space<any>>
        %dma_start3A_79 = tpu.memref_squeeze %dma_start3A_78 : memref<1x768x2048xf32, #tpu.memory_space<any>> -> memref<768x2048xf32, #tpu.memory_space<any>>
        tpu.enqueue_dma source(%dma_start3A_79 : memref<768x2048xf32, #tpu.memory_space<any>>) target(%dma_start3A_75 : memref<768x2048xf32, #tpu.memory_space<vmem>>) target_semaphore(%dma_start3A_71 : memref<!tpu.dma_semaphore, #tpu.memory_space<semaphore_mem>>)
        %dma_start3A_80 = tpu.memref_slice %arg14[%sub3A_70] : memref<2x!tpu.dma_semaphore, #tpu.memory_space<semaphore_mem>> -> memref<1x!tpu.dma_semaphore, #tpu.memory_space<semaphore_mem>>
        %dma_start3A_81 = tpu.memref_squeeze %dma_start3A_80 : memref<1x!tpu.dma_semaphore, #tpu.memory_space<semaphore_mem>> -> memref<!tpu.dma_semaphore, #tpu.memory_space<semaphore_mem>>
        %dma_start3A_82 = arith.constant 0 : i32
        %dma_start3A_83 = arith.constant 0 : i32
        %dma_start3A_84 = tpu.memref_slice %arg12[%sub3A_70, %dma_start3A_82, %dma_start3A_83] : memref<2x2048x768xf32, #tpu.memory_space<vmem>> -> memref<1x2048x768xf32, #tpu.memory_space<vmem>>
        %dma_start3A_85 = tpu.memref_squeeze %dma_start3A_84 : memref<1x2048x768xf32, #tpu.memory_space<vmem>> -> memref<2048x768xf32, #tpu.memory_space<vmem>>
        %dma_start3A_86 = arith.constant 0 : i32
        %dma_start3A_87 = arith.constant 0 : i32
        %dma_start3A_88 = tpu.memref_slice %arg7[%get3A_46, %dma_start3A_86, %dma_start3A_87] : memref<8x2048x768xf32, #tpu.memory_space<any>> -> memref<1x2048x768xf32, #tpu.memory_space<any>>
        %dma_start3A_89 = tpu.memref_squeeze %dma_start3A_88 : memref<1x2048x768xf32, #tpu.memory_space<any>> -> memref<2048x768xf32, #tpu.memory_space<any>>
        tpu.enqueue_dma source(%dma_start3A_89 : memref<2048x768xf32, #tpu.memory_space<any>>) target(%dma_start3A_85 : memref<2048x768xf32, #tpu.memory_space<vmem>>) target_semaphore(%dma_start3A_81 : memref<!tpu.dma_semaphore, #tpu.memory_space<semaphore_mem>>)
      } else {
      }
      %dma_wait3A = tpu.memref_slice %arg13[%get3A_2] : memref<2x!tpu.dma_semaphore, #tpu.memory_space<semaphore_mem>> -> memref<1x!tpu.dma_semaphore, #tpu.memory_space<semaphore_mem>>
      %dma_wait3A_51 = tpu.memref_squeeze %dma_wait3A : memref<1x!tpu.dma_semaphore, #tpu.memory_space<semaphore_mem>> -> memref<!tpu.dma_semaphore, #tpu.memory_space<semaphore_mem>>
      %dma_wait3A_52 = arith.constant 0 : i32
      %dma_wait3A_53 = arith.constant 0 : i32
      %dma_wait3A_54 = tpu.memref_slice %arg11[%get3A_2, %dma_wait3A_52, %dma_wait3A_53] : memref<2x768x2048xf32, #tpu.memory_space<vmem>> -> memref<1x768x2048xf32, #tpu.memory_space<vmem>>
      %dma_wait3A_55 = tpu.memref_squeeze %dma_wait3A_54 : memref<1x768x2048xf32, #tpu.memory_space<vmem>> -> memref<768x2048xf32, #tpu.memory_space<vmem>>
      %dma_wait3A_56 = arith.constant 0 : i32
      %dma_wait3A_57 = arith.constant 0 : i32
      %dma_wait3A_58 = tpu.memref_slice %arg6[%get3A_0, %dma_wait3A_56, %dma_wait3A_57] : memref<8x768x2048xf32, #tpu.memory_space<any>> -> memref<1x768x2048xf32, #tpu.memory_space<any>>
      %dma_wait3A_59 = tpu.memref_squeeze %dma_wait3A_58 : memref<1x768x2048xf32, #tpu.memory_space<any>> -> memref<768x2048xf32, #tpu.memory_space<any>>
      tpu.wait_dma2 semaphore(%dma_wait3A_51 : memref<!tpu.dma_semaphore, #tpu.memory_space<semaphore_mem>>) src(%dma_wait3A_59 : memref<768x2048xf32, #tpu.memory_space<any>>) dst(%dma_wait3A_55 : memref<768x2048xf32, #tpu.memory_space<vmem>>)
      %dma_wait3A_60 = tpu.memref_slice %arg14[%get3A_2] : memref<2x!tpu.dma_semaphore, #tpu.memory_space<semaphore_mem>> -> memref<1x!tpu.dma_semaphore, #tpu.memory_space<semaphore_mem>>
      %dma_wait3A_61 = tpu.memref_squeeze %dma_wait3A_60 : memref<1x!tpu.dma_semaphore, #tpu.memory_space<semaphore_mem>> -> memref<!tpu.dma_semaphore, #tpu.memory_space<semaphore_mem>>
      %dma_wait3A_62 = arith.constant 0 : i32
      %dma_wait3A_63 = arith.constant 0 : i32
      %dma_wait3A_64 = tpu.memref_slice %arg12[%get3A_2, %dma_wait3A_62, %dma_wait3A_63] : memref<2x2048x768xf32, #tpu.memory_space<vmem>> -> memref<1x2048x768xf32, #tpu.memory_space<vmem>>
      %dma_wait3A_65 = tpu.memref_squeeze %dma_wait3A_64 : memref<1x2048x768xf32, #tpu.memory_space<vmem>> -> memref<2048x768xf32, #tpu.memory_space<vmem>>
      %dma_wait3A_66 = arith.constant 0 : i32
      %dma_wait3A_67 = arith.constant 0 : i32
      %dma_wait3A_68 = tpu.memref_slice %arg7[%get3A_0, %dma_wait3A_66, %dma_wait3A_67] : memref<8x2048x768xf32, #tpu.memory_space<any>> -> memref<1x2048x768xf32, #tpu.memory_space<any>>
      %dma_wait3A_69 = tpu.memref_squeeze %dma_wait3A_68 : memref<1x2048x768xf32, #tpu.memory_space<any>> -> memref<2048x768xf32, #tpu.memory_space<any>>
      tpu.wait_dma2 semaphore(%dma_wait3A_61 : memref<!tpu.dma_semaphore, #tpu.memory_space<semaphore_mem>>) src(%dma_wait3A_69 : memref<2048x768xf32, #tpu.memory_space<any>>) dst(%dma_wait3A_65 : memref<2048x768xf32, #tpu.memory_space<vmem>>)
    } else {
    }
    %get3A_12 = arith.constant 0 : index
    %get3A_13 = arith.constant 0 : index
    %get3A_14 = vector.load %arg5[%get3A_12, %get3A_13] : memref<256x768xf32, #tpu.memory_space<vmem>>, vector<256x768xf32>
    %get3A_15 = arith.index_cast %get3A_2 : i32 to index
    %get3A_16 = arith.constant 0 : index
    %get3A_17 = arith.constant 0 : index
    %get3A_18 = vector.load %arg11[%get3A_15, %get3A_16, %get3A_17] : memref<2x768x2048xf32, #tpu.memory_space<vmem>>, vector<1x768x2048xf32>
    %get3A_19 = vector.shape_cast %get3A_18 : vector<1x768x2048xf32> to vector<768x2048xf32>
    %dot_general3A = arith.constant dense<0.000000e+00> : vector<256x2048xf32>
    %dot_general3A_20 = tpu.matmul %get3A_14, %get3A_19, %dot_general3A {dimension_numbers = #tpu.dot_dimension_numbers<[1], [0], [0], [1], [0, 0, 1, 1], [], []>, transpose_lhs_hint = false} : vector<256x768xf32>, vector<768x2048xf32>, vector<256x2048xf32> -> vector<256x2048xf32>
    %get3A_21 = arith.constant 0 : index
    %get3A_22 = arith.constant 0 : index
    %get3A_23 = arith.constant 0 : index
    %get3A_24 = vector.load %arg8[%get3A_21, %get3A_22, %get3A_23] : memref<1x1x2048xf32, #tpu.memory_space<vmem>>, vector<1x1x2048xf32>
    %get3A_25 = vector.shape_cast %get3A_24 : vector<1x1x2048xf32> to vector<1x2048xf32>
    %add3A = vector.broadcast %get3A_25 : vector<1x2048xf32> to vector<256x2048xf32>
    %add3A_26 = arith.addf %dot_general3A_20, %add3A : vector<256x2048xf32>
    %max3A = arith.constant 0.000000e+00 : f32
    %max3A_27 = vector.broadcast %max3A : f32 to vector<256x2048xf32>
    %max3A_28 = arith.maximumf %add3A_26, %max3A_27 : vector<256x2048xf32>
    %get3A_29 = arith.index_cast %get3A_2 : i32 to index
    %get3A_30 = arith.constant 0 : index
    %get3A_31 = arith.constant 0 : index
    %get3A_32 = vector.load %arg12[%get3A_29, %get3A_30, %get3A_31] : memref<2x2048x768xf32, #tpu.memory_space<vmem>>, vector<1x2048x768xf32>
    %get3A_33 = vector.shape_cast %get3A_32 : vector<1x2048x768xf32> to vector<2048x768xf32>
    %dot_general3A_34 = arith.constant dense<0.000000e+00> : vector<256x768xf32>
    %dot_general3A_35 = tpu.matmul %max3A_28, %get3A_33, %dot_general3A_34 {dimension_numbers = #tpu.dot_dimension_numbers<[1], [0], [0], [1], [0, 0, 1, 1], [], []>, transpose_lhs_hint = false} : vector<256x2048xf32>, vector<2048x768xf32>, vector<256x768xf32> -> vector<256x768xf32>
    %get3A_36 = arith.constant 0 : index
    %get3A_37 = arith.constant 0 : index
    %get3A_38 = arith.constant 0 : index
    %get3A_39 = vector.load %arg9[%get3A_36, %get3A_37, %get3A_38] : memref<1x1x768xf32, #tpu.memory_space<vmem>>, vector<1x1x768xf32>
    %get3A_40 = vector.shape_cast %get3A_39 : vector<1x1x768xf32> to vector<1x768xf32>
    %add3A_41 = vector.broadcast %get3A_40 : vector<1x768xf32> to vector<256x768xf32>
    %add3A_42 = arith.addf %dot_general3A_35, %add3A_41 : vector<256x768xf32>
    %swap3A = arith.constant 0 : index
    %swap3A_43 = arith.constant 0 : index
    %swap3A_44 = vector.load %arg10[%swap3A, %swap3A_43] : memref<256x768xf32, #tpu.memory_space<vmem>>, vector<256x768xf32>
    tpu.vector_store %arg10[%swap3A, %swap3A_43], %add3A_42 {strides = array<i32>} : memref<256x768xf32, #tpu.memory_space<vmem>>, vector<256x768xf32>,
    return
  }
  func.func @transform_0(%arg0: i32, %arg1: memref<39xi32, #tpu.memory_space<smem>>, %arg2: memref<39xi32, #tpu.memory_space<smem>>, %arg3: memref<39xi32, #tpu.memory_space<smem>>, %arg4: memref<39xi32, #tpu.memory_space<smem>>) -> (i32, i32) {
    %c0_i32 = arith.constant 0 : i32
    %c0_i32_0 = arith.constant 0 : i32
    return %arg0, %c0_i32 : i32, i32
  }
  func.func @transform_3(%arg0: i32, %arg1: memref<39xi32, #tpu.memory_space<smem>>, %arg2: memref<39xi32, #tpu.memory_space<smem>>, %arg3: memref<39xi32, #tpu.memory_space<smem>>, %arg4: memref<39xi32, #tpu.memory_space<smem>>) -> (i32, i32, i32) {
    %get3A = arith.index_cast %arg0 : i32 to index
    %get3A_0 = memref.load %arg1[%get3A] : memref<39xi32, #tpu.memory_space<smem>>
    %c0_i32 = arith.constant 0 : i32
    %c0_i32_1 = arith.constant 0 : i32
    %c0_i32_2 = arith.constant 0 : i32
    return %get3A_0, %c0_i32, %c0_i32_1 : i32, i32, i32
  }
  func.func @transform_4(%arg0: i32, %arg1: memref<39xi32, #tpu.memory_space<smem>>, %arg2: memref<39xi32, #tpu.memory_space<smem>>, %arg3: memref<39xi32, #tpu.memory_space<smem>>, %arg4: memref<39xi32, #tpu.memory_space<smem>>) -> (i32, i32, i32) {
    %get3A = arith.index_cast %arg0 : i32 to index
    %get3A_0 = memref.load %arg1[%get3A] : memref<39xi32, #tpu.memory_space<smem>>
    %c0_i32 = arith.constant 0 : i32
    %c0_i32_1 = arith.constant 0 : i32
    %c0_i32_2 = arith.constant 0 : i32
    return %get3A_0, %c0_i32, %c0_i32_1 : i32, i32, i32
  }
  func.func @transform_5(%arg0: i32, %arg1: memref<39xi32, #tpu.memory_space<smem>>, %arg2: memref<39xi32, #tpu.memory_space<smem>>, %arg3: memref<39xi32, #tpu.memory_space<smem>>, %arg4: memref<39xi32, #tpu.memory_space<smem>>) -> (i32, i32) {
    %c0_i32 = arith.constant 0 : i32
    %c0_i32_0 = arith.constant 0 : i32
    return %arg0, %c0_i32 : i32, i32
  }
}

module attributes {stable_mosaic.version = 14 : i64} {
  func.func @_combine_body(%arg0: i32, %arg1: memref<512x768xf32, #tpu.memory_space<vmem>>, %arg2: memref<512x768xf32, #tpu.memory_space<vmem>>, %arg3: memref<512x1xf32, #tpu.memory_space<vmem>>, %arg4: memref<512x1xf32, #tpu.memory_space<vmem>>, %arg5: memref<512x768xf32, #tpu.memory_space<vmem>>, %arg6: memref<768x2048xf32, #tpu.memory_space<vmem>>, %arg7: memref<1x2048xf32, #tpu.memory_space<vmem>>, %arg8: memref<2048x768xf32, #tpu.memory_space<vmem>>, %arg9: memref<1x768xf32, #tpu.memory_space<vmem>>, %arg10: memref<512x768xf32, #tpu.memory_space<vmem>>) attributes {dimension_semantics = [#tpu.dimension_semantics<arbitrary>], iteration_bounds = array<i64: 8>, scalar_prefetch = 0 : i64, scratch_operands = 0 : i64, tpu.core_type = #tpu.core_type<tc>, window_params = [{transform_indices = @transform_0, window_bounds = array<i64: 512, 768>}, {transform_indices = @transform_1, window_bounds = array<i64: 512, 768>}, {transform_indices = @transform_2, window_bounds = array<i64: 512, 1>}, {transform_indices = @transform_3, window_bounds = array<i64: 512, 1>}, {transform_indices = @transform_4, window_bounds = array<i64: 512, 768>}, {pipeline_mode = #tpu.pipeline_mode<synchronous>, transform_indices = @transform_5, window_bounds = array<i64: 768, 2048>}, {pipeline_mode = #tpu.pipeline_mode<synchronous>, transform_indices = @transform_6, window_bounds = array<i64: 1, 2048>}, {pipeline_mode = #tpu.pipeline_mode<synchronous>, transform_indices = @transform_7, window_bounds = array<i64: 2048, 768>}, {pipeline_mode = #tpu.pipeline_mode<synchronous>, transform_indices = @transform_8, window_bounds = array<i64: 1, 768>}, {transform_indices = @transform_9, window_bounds = array<i64: 512, 768>}]} {
    %get3A = arith.constant 0 : index
    %get3A_0 = arith.constant 0 : index
    %get3A_1 = vector.load %arg5[%get3A, %get3A_0] : memref<512x768xf32, #tpu.memory_space<vmem>>, vector<512x768xf32>
    %get3A_2 = arith.constant 0 : index
    %get3A_3 = arith.constant 0 : index
    %get3A_4 = vector.load %arg6[%get3A_2, %get3A_3] : memref<768x2048xf32, #tpu.memory_space<vmem>>, vector<768x2048xf32>
    %dot_general3A = arith.constant dense<0.000000e+00> : vector<512x2048xf32>
    %dot_general3A_5 = tpu.matmul %get3A_1, %get3A_4, %dot_general3A {dimension_numbers = #tpu.dot_dimension_numbers<[1], [0], [0], [1], [0, 0, 1, 1], [], []>, transpose_lhs_hint = false} : vector<512x768xf32>, vector<768x2048xf32>, vector<512x2048xf32> -> vector<512x2048xf32>
    %get3A_6 = arith.constant 0 : index
    %get3A_7 = arith.constant 0 : index
    %get3A_8 = vector.load %arg7[%get3A_6, %get3A_7] : memref<1x2048xf32, #tpu.memory_space<vmem>>, vector<1x2048xf32>
    %add3A = vector.broadcast %get3A_8 : vector<1x2048xf32> to vector<512x2048xf32>
    %add3A_9 = arith.addf %dot_general3A_5, %add3A : vector<512x2048xf32>
    %max3A = arith.constant 0.000000e+00 : f32
    %max3A_10 = vector.broadcast %max3A : f32 to vector<512x2048xf32>
    %max3A_11 = arith.maximumf %add3A_9, %max3A_10 : vector<512x2048xf32>
    %get3A_12 = arith.constant 0 : index
    %get3A_13 = arith.constant 0 : index
    %get3A_14 = vector.load %arg8[%get3A_12, %get3A_13] : memref<2048x768xf32, #tpu.memory_space<vmem>>, vector<2048x768xf32>
    %dot_general3A_15 = arith.constant dense<0.000000e+00> : vector<512x768xf32>
    %dot_general3A_16 = tpu.matmul %max3A_11, %get3A_14, %dot_general3A_15 {dimension_numbers = #tpu.dot_dimension_numbers<[1], [0], [0], [1], [0, 0, 1, 1], [], []>, transpose_lhs_hint = false} : vector<512x2048xf32>, vector<2048x768xf32>, vector<512x768xf32> -> vector<512x768xf32>
    %get3A_17 = arith.constant 0 : index
    %get3A_18 = arith.constant 0 : index
    %get3A_19 = vector.load %arg9[%get3A_17, %get3A_18] : memref<1x768xf32, #tpu.memory_space<vmem>>, vector<1x768xf32>
    %add3A_20 = vector.broadcast %get3A_19 : vector<1x768xf32> to vector<512x768xf32>
    %add3A_21 = arith.addf %dot_general3A_16, %add3A_20 : vector<512x768xf32>
    %get3A_22 = arith.constant 0 : index
    %get3A_23 = arith.constant 0 : index
    %get3A_24 = vector.load %arg3[%get3A_22, %get3A_23] : memref<512x1xf32, #tpu.memory_space<vmem>>, vector<512x1xf32>
    %get3A_25 = arith.constant 0 : index
    %get3A_26 = arith.constant 0 : index
    %get3A_27 = vector.load %arg1[%get3A_25, %get3A_26] : memref<512x768xf32, #tpu.memory_space<vmem>>, vector<512x768xf32>
    %mul3A = vector.broadcast %get3A_24 : vector<512x1xf32> to vector<512x768xf32>
    %mul3A_28 = arith.mulf %mul3A, %get3A_27 : vector<512x768xf32>
    %get3A_29 = arith.constant 0 : index
    %get3A_30 = arith.constant 0 : index
    %get3A_31 = vector.load %arg4[%get3A_29, %get3A_30] : memref<512x1xf32, #tpu.memory_space<vmem>>, vector<512x1xf32>
    %get3A_32 = arith.constant 0 : index
    %get3A_33 = arith.constant 0 : index
    %get3A_34 = vector.load %arg2[%get3A_32, %get3A_33] : memref<512x768xf32, #tpu.memory_space<vmem>>, vector<512x768xf32>
    %mul3A_35 = vector.broadcast %get3A_31 : vector<512x1xf32> to vector<512x768xf32>
    %mul3A_36 = arith.mulf %mul3A_35, %get3A_34 : vector<512x768xf32>
    %add3A_37 = arith.addf %mul3A_28, %mul3A_36 : vector<512x768xf32>
    %add3A_38 = arith.addf %add3A_37, %add3A_21 : vector<512x768xf32>
    %swap3A = arith.constant 0 : index
    %swap3A_39 = arith.constant 0 : index
    %swap3A_40 = vector.load %arg10[%swap3A, %swap3A_39] : memref<512x768xf32, #tpu.memory_space<vmem>>, vector<512x768xf32>
    tpu.vector_store %arg10[%swap3A, %swap3A_39], %add3A_38 {strides = array<i32>} : memref<512x768xf32, #tpu.memory_space<vmem>>, vector<512x768xf32>,
    return
  }
  func.func @transform_0(%arg0: i32) -> (i32, i32) {
    %c0_i32 = arith.constant 0 : i32
    %c0_i32_0 = arith.constant 0 : i32
    return %arg0, %c0_i32 : i32, i32
  }
  func.func @transform_1(%arg0: i32) -> (i32, i32) {
    %c0_i32 = arith.constant 0 : i32
    %c0_i32_0 = arith.constant 0 : i32
    return %arg0, %c0_i32 : i32, i32
  }
  func.func @transform_2(%arg0: i32) -> (i32, i32) {
    %c0_i32 = arith.constant 0 : i32
    %c0_i32_0 = arith.constant 0 : i32
    return %arg0, %c0_i32 : i32, i32
  }
  func.func @transform_3(%arg0: i32) -> (i32, i32) {
    %c0_i32 = arith.constant 0 : i32
    %c0_i32_0 = arith.constant 0 : i32
    return %arg0, %c0_i32 : i32, i32
  }
  func.func @transform_4(%arg0: i32) -> (i32, i32) {
    %c0_i32 = arith.constant 0 : i32
    %c0_i32_0 = arith.constant 0 : i32
    return %arg0, %c0_i32 : i32, i32
  }
  func.func @transform_5(%arg0: i32) -> (i32, i32) {
    %c0_i32 = arith.constant 0 : i32
    %c0_i32_0 = arith.constant 0 : i32
    %c0_i32_1 = arith.constant 0 : i32
    return %c0_i32, %c0_i32_0 : i32, i32
  }
  func.func @transform_6(%arg0: i32) -> (i32, i32) {
    %c0_i32 = arith.constant 0 : i32
    %c0_i32_0 = arith.constant 0 : i32
    %c0_i32_1 = arith.constant 0 : i32
    return %c0_i32, %c0_i32_0 : i32, i32
  }
  func.func @transform_7(%arg0: i32) -> (i32, i32) {
    %c0_i32 = arith.constant 0 : i32
    %c0_i32_0 = arith.constant 0 : i32
    %c0_i32_1 = arith.constant 0 : i32
    return %c0_i32, %c0_i32_0 : i32, i32
  }
  func.func @transform_8(%arg0: i32) -> (i32, i32) {
    %c0_i32 = arith.constant 0 : i32
    %c0_i32_0 = arith.constant 0 : i32
    %c0_i32_1 = arith.constant 0 : i32
    return %c0_i32, %c0_i32_0 : i32, i32
  }
  func.func @transform_9(%arg0: i32) -> (i32, i32) {
    %c0_i32 = arith.constant 0 : i32
    %c0_i32_0 = arith.constant 0 : i32
    return %arg0, %c0_i32 : i32, i32
  }
}

</mosaic_0001>

<sc_bundles>
// kernel: kernel.10.cloned.1.call-start
scs
__scs_entry_jumppad:
0x0: {  	(pc) =	sbr.rel $0x88, $3  }
0x1: {  	(tag) =	ssettag $0x0;
	lr =	simm.s32 $0x1  }
0x2: {  	[smem:$0x3F95] =	sst lr;
	_ =	strace $0xD0000000  }
0x3: {  	_ = 	snop  }
0x4: {  	_ = 	snop  }
0x5: {  	_ = 	snop  }
0x6: {  	_ = 	snop  }
0x7: {  	_ = 	snop  }
__scs_overlays_trampoline_lowered:
0x8: {  	[smem:$0x3FA4] =	sst s0  }
0x9: {  	[smem:$0x3FA5] =	sst s1  }
0xa: {  	[smem:$0x3FA6] =	sst s2  }
0xb: {  	[smem:$0x3FA7] =	sst s3  }
0xc: {  	[smem:$0x3FA8] =	sst s4  }
0xd: {  	[smem:$0x3FA9] =	sst s5  }
0xe: {  	[smem:$0x3FAA] =	sst s6  }
0xf: {  	[smem:$0x3FAB] =	sst s7  }
0x10: {  	[smem:$0x3FAC] =	sst s8  }
0x11: {  	[smem:$0x3FAD] =	sst s9;
	s0 =	simm.s32 @!p0 $0x0  }
0x12: {  	s1 =	sld [smem:$0x3F93];
	s0 =	simm.s32 @p0 $0x1  }
0x13: {  	[smem:$0x3FAE] =	sst s0;
	s0 =	simm.s32 @!p1 $0x0  }
0x14: {  	s2 =	sld [smem:$0x3F92];
	s0 =	simm.s32 @p1 $0x1  }
0x15: {  	[smem:$0x3FAF] =	sst s0;
	s0 =	simm.s32 @!p2 $0x0  }
0x16: {  	s3 =	sld [smem:$0x3FDB];
	s0 =	simm.s32 @p2 $0x1  }
0x17: {  	s4 =	simm.s32 $0x1BF5;
	[smem:$0x3FB1] =	sst s0  }
0x18: {  	s0 =	sld [smem:$0x3F94];
	_ =	swait.ge [sflag:s4], $0x0  }
0x19: {  	s7 =	sld [smem:$0x3F95]  }
0x1a: {  	s8 =	sadd.s32 $0xFFFFE003, lr  }
0x1b: {  	s9 =	sadd.s32 $0xFFFFFEF7, lr;
	s5 =	simm.s32 $0xFFFFFFFF;
	p2 =	slt.u32 s8, $0xFFFFF086  }
0x1c: {  	p1 =	slt.u32 s9, $0xF7A;
	s5 =	simm.s32 @!p2 $0x0  }
0x1d: {  	s5 =	simm.s32 @p1 $0x1;
	p0 =	seq.s32 s7, s2  }
0x1e: {  	s7 =	smul.u32 @!p0 $0xF7A, s2;
	p2 =	seq.s32 @!p0 s5, $0x0  }
0x1f: {  	s9 =	smul.u32 $0xF7A, s1;
	s8 =	simm.s32 @!p0 $0x1BF5;
	p2 =	por !p2, p0  }
0x20: {  	[sflag:s8] =	ssyncset.s32 @!p0 $0xFFFFF086;
	s6 =	sadd.s32 @!p0 s3, s7;
	s7 =	simm.s32 @!p0 $0x108  }
0x21: {  	s3 =	sadd.s32 s3, s9;
	s6 =	sadd.s32 @!p0 $0x88, s6;
	s7 =	simm.s32 @p2 $0x1082  }
0x22: {  	[simem:s7], [sflag:s8] =	dma.local @!p0 [hbm:s6], $0xF7A  }
0x23: {  	s9 =	sor.u32 $0xD0000000, s2;
	s6 =	simm.s32 $0x108;
	_ =	swait.ge @!p0 [sflag:s8], $0x0  }
0x24: {  	s3 =	sadd.s32 $0x88, s3;
	s6 =	simm.s32 @!p1 $0x1082;
	[sflag:s4] =	ssyncset.s32 $0xFFFFF086  }
0x25: {  	[simem:s6], [sflag:s4] =	dma.local [hbm:s3], $0xF7A  }
0x26: {  	[smem:$0x3F95] =	sst s1;
	(tag) =	ssettag s2;
	_ =	strace s9  }
0x27: {  	s1 =	sld [smem:$0x3FA5]  }
0x28: {  	s2 =	sld [smem:$0x3FA6]  }
0x29: {  	s4 =	sld [smem:$0x3FA8]  }
0x2a: {  	p0 =	seq.s32 s5, $0x0;
	s5 =	sld [smem:$0x3FA9]  }
0x2b: {  	s6 =	sld [smem:$0x3FAA]  }
0x2c: {  	s7 =	sld [smem:$0x3FAB]  }
0x2d: {  	s3 =	simm.s32 $0x108;
	s8 =	sld [smem:$0x3FAC]  }
0x2e: {  	s3 =	simm.s32 @!p0 $0x1082;
	s9 =	sld [smem:$0x3FAD]  }
0x2f: {  	lr =	sadd.s32 s0, s3;
	s0 =	sld [smem:$0x3FA4]  }
0x30: {  	s3 =	sld [smem:$0x3FA7]  }
0x31: {  	[smem:$0x3FB0] =	sst s10  }
0x32: {  	s10 =	sld [smem:$0x3FAE];
	_ =	sdelay $0x3  }
0x33: {  	p0 =	seq.s32 s10, $0x1;
	s10 =	sld [smem:$0x3FB0];
	_ =	sdelay $0x3  }
0x34: {  	[smem:$0x3FB0] =	sst s10  }
0x35: {  	s10 =	sld [smem:$0x3FAF];
	_ =	sdelay $0x3  }
0x36: {  	p1 =	seq.s32 s10, $0x1;
	s10 =	sld [smem:$0x3FB0];
	_ =	sdelay $0x3  }
0x37: {  	[smem:$0x3FB0] =	sst s10  }
0x38: {  	s10 =	sld [smem:$0x3FB1]  }
0x39: {  	_ = 	snop;
	(pc) =	sbr.ind lr, $3  }
0x3a: {  	_ = 	snop  }
0x3b: {  	_ = 	snop  }
0x3c: {  	p2 =	seq.s32 s10, $0x1;
	s10 =	sld [smem:$0x3FB0]  }
0x3d: {  	_ =	shalt  }
0x3e: {  	_ =	shalt  }
0x3f: {  	_ =	shalt  }
0x40: {  	_ =	shalt  }
0x41: {  	_ =	shalt  }
0x42: {  	_ =	shalt  }
0x43: {  	_ =	shalt  }
0x44: {  	_ =	shalt  }
0x45: {  	_ =	shalt  }
0x46: {  	_ =	shalt  }
0x47: {  	_ =	shalt  }
0x48: {  	_ =	shalt  }
0x49: {  	_ =	shalt  }
0x4a: {  	_ =	shalt  }
0x4b: {  	_ =	shalt  }
0x4c: {  	_ =	shalt  }
0x4d: {  	_ =	shalt  }
0x4e: {  	_ =	shalt  }
0x4f: {  	_ =	shalt  }
0x50: {  	_ =	shalt  }
0x51: {  	_ =	shalt  }
0x52: {  	_ =	shalt  }
0x53: {  	_ =	shalt  }
0x54: {  	_ =	shalt  }
0x55: {  	_ =	shalt  }
0x56: {  	_ =	shalt  }
0x57: {  	_ =	shalt  }
0x58: {  	_ =	shalt  }
0x59: {  	_ =	shalt  }
0x5a: {  	_ =	shalt  }
0x5b: {  	_ =	shalt  }
0x5c: {  	_ =	shalt  }
0x5d: {  	_ =	shalt  }
0x5e: {  	_ =	shalt  }
0x5f: {  	_ =	shalt  }
0x60: {  	_ =	shalt  }
0x61: {  	_ =	shalt  }
0x62: {  	_ =	shalt  }
0x63: {  	_ =	shalt  }
0x64: {  	_ =	shalt  }
0x65: {  	_ =	shalt  }
0x66: {  	_ =	shalt  }
0x67: {  	_ =	shalt  }
0x68: {  	_ =	shalt  }
0x69: {  	_ =	shalt  }
0x6a: {  	_ =	shalt  }
0x6b: {  	_ =	shalt  }
0x6c: {  	_ =	shalt  }
0x6d: {  	_ =	shalt  }
0x6e: {  	_ =	shalt  }
0x6f: {  	_ =	shalt  }
0x70: {  	_ =	shalt  }
0x71: {  	_ =	shalt  }
0x72: {  	_ =	shalt  }
0x73: {  	_ =	shalt  }
0x74: {  	_ =	shalt  }
0x75: {  	_ =	shalt  }
0x76: {  	_ =	shalt  }
0x77: {  	_ =	shalt  }
0x78: {  	_ =	shalt  }
0x79: {  	_ =	shalt  }
0x7a: {  	_ =	shalt  }
0x7b: {  	_ =	shalt  }
0x7c: {  	_ =	shalt  }
0x7d: {  	_ =	shalt  }
0x7e: {  	_ =	shalt  }
0x7f: {  	_ =	shalt  }
0x80: {  	_ =	shalt  }
0x81: {  	_ =	shalt  }
0x82: {  	_ =	shalt  }
0x83: {  	_ =	shalt  }
0x84: {  	_ =	shalt  }
0x85: {  	_ =	shalt  }
0x86: {  	_ =	shalt  }
0x87: {  	_ =	shalt  }
.Lfunc_end0:
.L_simem_size_0:
called_computation.1_lowered:
.L_overlay_start_0:
0x88: {  	s2 =	sld [smem:$0x3FD9]  }
0x89: {  	s3 =	sld [smem:$0x3FFE];
	_ =	sdelay $0x1  }
0x8a: {  	s1 =	srdreg.scid  }
0x8b: {  	s0 =	sand.u32 $0x1, s1  }
0x8c: {  	s14 =	sshll.u32 s0, $0xA;
	s2 =	sadd.s32 s3, s2  }
0x8d: {  	s2 =	sadd.s32 s2, s14  }
0x8e: {  	[smem:$0x3FBC] =	sst s2  }
0x8f: {  	_ = 	snop  }
0x90: {  	s2 =	sld [smem:$0x3FD0];
	_ =	sdelay $0x2  }
0x91: {  	s15 =	simm.s32 $0xA;
	s4 =	simm.s32 $0x10  }
0x92: {  	[smem:s4], [sflag:s15] =	dma.local [hbm:s2], $0x1  }
0x93: {  	_ =	swait.eq [sflag:s15], $0x1  }
0x94: {  	[sflag:s15] =	ssyncset.done $0x0  }
0x95: {  	[sflag:s15] =	ssyncadd.s32 $0xFFFFFFFF  }
0x96: {  	s16 =	sld [smem:$0x10];
	(tm) =	ssettm $0x1  }
0x97: {  	s17 =	sld [smem:$0x3FFB];
	_ =	sdelay $0x3  }
0x98: {  	_ =	strace s17  }
0x99: {  	s3 =	sld [smem:$0x3FFC];
	_ =	sdelay $0x3  }
0x9a: {  	_ =	strace s3  }
0x9b: {  	s3 =	sld [smem:$0x3FFD];
	_ =	sdelay $0x3  }
0x9c: {  	_ =	strace s3  }
0x9d: {  	_ =	strace $0x8FFFFFFF  }
0x9e: {  	s18 =	sld [smem:$0x3FDB];
	_ =	sdelay $0x1  }
0x9f: {  	s19 =	simm.s32 $_scs_section_size  }
0xa0: {  	s5 =	simm.s32 $_size__tile_overlayer_lowered;
	s6 =	simm.s32 $_tile_overlayer_lowered  }
0xa1: {  	s22 =	simm.s32 $0x1BFF;
	s21 =	sshll.u32 s6, $0x1;
	s3 =	sadd.s32 s19, s18  }
0xa2: {  	s7 =	simm.s32 $0x0;
	s20 =	sshll.u32 s5, $0x1;
	s5 =	sadd.s32 s21, s3  }
0xa3: {  	[timem:s7], [sflag:s22] =	dma.local [hbm:s5], s20  }
0xa4: {  	_ =	swait.ge [sflag:s22], s20  }
0xa5: {  	s4 =	ssub.s32 $0x0, s20;
	[sflag:s22] =	ssyncset.done $0x0  }
0xa6: {  	[sflag:s22] =	ssyncadd.s32 s4;
	_ =	sdelay $0x1  }
0xa7: {  	s23 =	simm.s32 $0x1B8B  }
0xa8: {  	_ =	swait.ge [sflag:s23], $0x1  }
0xa9: {  	[sflag:s23] =	ssyncset.done $0x0  }
0xaa: {  	s25 =	simm.s32 $0x1B8E;
	s24 =	sld [smem:$0x3FFE];
	[sflag:s23] =	ssyncadd.s32 $0xFFFFFFFF  }
0xab: {  	s26 =	simm.s32 $execute0_lowered;
	[smem:$0x3FD2] =	sst s25  }
0xac: {  	s5 =	sshll.u32 s26, $0x1;
	_ =	strace $0x80000049;
	[dreg:$0x1] =	wrdreg $0xFFFFFFFF  }
0xad: {  	s28 =	simm.s32 $_size_execute0_lowered;
	s3 =	sadd.s32 s3, s5;
	[dreg:$0x0] =	wrdreg $0x0  }
0xae: {  	s5 =	sshll.u32 s28, $0x1;
	[dreg:$0x2] =	wrdreg s3  }
0xaf: {  	[dreg:$0x3] =	wrdreg s5  }
0xb0: {  	[dreg:$0x4] =	wrdreg $0xC0  }
0xb1: {  	_ =	task [dreg:s7], $0x5FFFF  }
0xb2: {  	[dreg:$0x1] =	wrdreg $0xFFFFFFFF  }
0xb3: {  	[dreg:$0x0] =	wrdreg $0x60  }
0xb4: {  	[dreg:$0x2] =	wrdreg s24  }
0xb5: {  	[dreg:$0x3] =	wrdreg s16  }
0xb6: {  	[dreg:$0x4] =	wrdreg $0x9  }
0xb7: {  	_ =	task.clear_ibuf [dreg:s7], $0x5FFFF;
	_ =	strace $0x90000049  }
0xb8: {  	s29 =	simm.s32 $0x9;
	_ =	strace $0x8000004B  }
0xb9: {  	_ =	swait.ge [sflag:s29], $0x1  }
0xba: {  	[sflag:s29] =	ssyncadd.s32 $0xFFFFFFFF  }
0xbb: {  	_ =	strace $0x9000004B  }
0xbc: {  	_ =	sfence  }
0xbd: {  	s30 =	sld [smem:$0x0];
	_ =	sdelay $0x2  }
0xbe: {  	s31 =	sshll.u32 s1, $0xD;
	s1 =	sshrl.u32 s1, $0x2  }
0xbf: {  	s3 =	sand.u32 $0x4000, s31;
	s1 =	sadd.s32 s1, s30  }
0xc0: {  	s0 =	sor.u32 s3, s0;
	s1 =	sshll.u32 s1, $0x11  }
0xc1: {  	s0 =	sor.u32 s1, s0  }
0xc2: {  	s0 =	sadd.s32 $0x8F2B, s0  }
0xc3: {  	[sflag:s0] =	ssyncadd.remote.s32 $0x1  }
0xc4: {  	_ =	sfence.sel $0xFFFF  }
0xc5: {  	[dreg:$0x0] =	wrdreg $0xFFFFFFFF;
	(pc) =	sbr.abs _section_cstart, $3  }
0xc6: {  	[dreg:$0x1] =	wrdreg $0xFFFFFFFF  }
0xc7: {  	_ =	task.clear_ibuf [dreg:s7], $0x2FFFF;
	_ =	strace $0x9FFFFFFF  }
0xc8: {  	(tm) =	ssettm $0x7FFFFFFF  }
0xc9: {  	_ =	shalt  }
tec
execute0_lowered:
.L_overlay_start_1:
0x0: {  	(tag) =	ssettag $0x1  }
0x1: {  	s0 =	srdreg.scid;
	s1 =	rddreg [dreg:$0x0]  }
0x2: {  	s2 =	stileid.u32;
	s4 =	rddreg [dreg:$0x1]  }
0x3: {  	s8 =	simm.s32 $0x1;
	s10 =	simm.s32 $0x880;
	s11 =	simm.s32 $0x1080  }
0x4: {  	s12 =	simm.s32 $0x1880;
	s13 =	simm.s32 $0x2080;
	s14 =	simm.s32 $0x2880  }
0x5: {  	s15 =	simm.s32 $0x3080;
	s16 =	simm.s32 $0x3880;
	s17 =	simm.s32 $0x4080  }
0x6: {  	s18 =	simm.s32 $0x4880;
	s19 =	simm.s32 $0x5080;
	s20 =	simm.s32 $0x5880  }
0x7: {  	s21 =	simm.s32 $0x6080;
	s22 =	simm.s32 $0x6880;
	s23 =	simm.s32 $0x7080  }
0x8: {  	s28 =	simm.s32 $0x9080;
	s29 =	simm.s32 $0x9880;
	s30 =	simm.s32 $0xA080  }
0x9: {  	s0 =	sand.u32 $0x1, s0;
	s3 =	sshll.u32 s2, $0x5;
	s2 =	simm.s32 $0x0  }
0xa: {  	s31 =	simm.s32 $0xA880;
	s5 =	sshll.u32 s0, $0x4;
	[smem:$0x7FF] =	sst s2  }
0xb: {  	s0 =	ssub.s32 $0x2, s0;
	s5 =	sor.u32 s5, s3;
	_ =	strace $0x8000004A  }
0xc: {  	s3 =	sadd.s32 $0xEAC00, s1;
	s25 =	sshrl.u32 s0, $0x1;
	s6 =	smul.u32 $0x300, s5  }
0xd: {  	s7 =	sadd.s32 s5, s1;
	s4 =	sadd.s32 s4, s5;
	s0 =	ssub.s32 s0, s25  }
0xe: {  	s5 =	sadd.s32 $0xEAE00, s1;
	s25 =	simm.s32 $0x8080;
	[dreg:$0x3] =	wrdreg s4  }
0xf: {  	s26 =	sadd.s32 $0xA00, s7;
	s4 =	sadd.s32 $0xEAD00, s1;
	s6 =	sadd.s32 s6, s1  }
0x10: {  	v2 =	vlaneseq.u32;
	s7 =	simm.s32 $0x2;
	[dreg:$0x5] =	wrdreg s26;
	s24 =	sadd.s32 $0xC00, s6  }
0x11: {  	vm0 =	vmmov $0xffff;
	v1 =	vshrl.u32 v2, $0x3;
	s26 =	simm.s32 $0x8880;
	s6 =	sadd.s32 $0x60C00, s6;
	[dreg:$0x4] =	wrdreg s24  }
0x12: {  	v0 =	vand.u32 $0x7, v2;
	v2 =	vor.u32 $0x8, v2;
	v1 =	vmul.u32 $0x8, v1;
	[dreg:$0x6] =	wrdreg s6;
	s6 =	smax.u32 s0, $0x1;
	s24 =	simm.s32 $0x7880  }
.LBB2_1:
0x13: {  	s9 =	rddreg [dreg:$0x3]  }
0x14: {  	[tilespmem:s2], [sflag:$0x2] =	stream.linear.gather [hbm4b:s9+s2], $0x80, $0x38;
	[tilespmem:$0x18080] =	vst v63  }
0x15: {  	_ =	swait.ge [sflag:s7], $0x80  }
0x16: {  	[sflag:s7] =	ssyncset.done $0x0  }
0x17: {  	[sflag:s7] =	ssyncadd.s32 $0xFFFFFF80  }
0x18: {  	v3 =	vld [tilespmem:$0x0];
	_ =	sdelay $0x4  }
0x19: {  	v4 =	vshrl.u32 v3, $0x3  }
0x1a: {  	v4 =	vmul.u32 $0x30, v4  }
0x1b: {  	v3 =	vand.u32 $0x7, v3  }
0x1c: {  	v3 =	vor.u32 v3, v4  }
0x1d: {  	v4 =	vperm.xlane v3, v0;
	_ =	sdelay $0x1  }
0x1e: {  	v4 =	vadd.s32 v1, v4;
	_ =	sdelay $0x3  }
0x1f: {  	s1 =	simm.s32 $0x80;
	v3 =	vperm.xlane v3, v2  }
0x20: {  	[tilespmem:s1], [sflag:$0x1] =	stream.indirect_vreg.gather [hbm4b:s3+s2], $0x80, v4, vm0, $0xb8;
	[tilespmem:$0x18080] =	vst v63  }
0x21: {  	v3 =	vadd.s32 v1, v3  }
0x22: {  	[tilespmem:s10], [sflag:$0x1] =	stream.indirect_vreg.gather [hbm4b:s4+s2], $0x80, v4, vm0, $0xb8;
	[tilespmem:$0x18080] =	vst v63  }
0x23: {  	_ = 	snop  }
0x24: {  	[tilespmem:s11], [sflag:$0x1] =	stream.indirect_vreg.gather [hbm4b:s5+s2], $0x80, v4, vm0, $0xb8;
	[tilespmem:$0x18080] =	vst v63  }
0x25: {  	_ = 	snop  }
0x26: {  	[tilespmem:s12], [sflag:$0x1] =	stream.indirect_vreg.gather [hbm4b:s3+s2], $0x80, v3, vm0, $0xb8;
	[tilespmem:$0x18080] =	vst v63  }
0x27: {  	_ = 	snop  }
0x28: {  	[tilespmem:s13], [sflag:$0x1] =	stream.indirect_vreg.gather [hbm4b:s4+s2], $0x80, v3, vm0, $0xb8;
	[tilespmem:$0x18080] =	vst v63  }
0x29: {  	_ = 	snop  }
0x2a: {  	[tilespmem:s14], [sflag:$0x1] =	stream.indirect_vreg.gather [hbm4b:s5+s2], $0x80, v3, vm0, $0xb8;
	[tilespmem:$0x18080] =	vst v63  }
0x2b: {  	v3 =	vld [tilespmem:$0x10];
	_ =	sdelay $0x4  }
0x2c: {  	v49 =	vshrl.u32 v3, $0x3  }
0x2d: {  	v4 =	vmul.u32 $0x30, v49  }
0x2e: {  	v3 =	vand.u32 $0x7, v3  }
0x2f: {  	v3 =	vor.u32 v3, v4  }
0x30: {  	v4 =	vperm.xlane v3, v0;
	_ =	sdelay $0x1  }
0x31: {  	v4 =	vadd.s32 v1, v4;
	_ =	sdelay $0x3  }
0x32: {  	v3 =	vperm.xlane v3, v2  }
0x33: {  	[tilespmem:s15], [sflag:$0x1] =	stream.indirect_vreg.gather [hbm4b:s3+s2], $0x80, v4, vm0, $0xb8;
	[tilespmem:$0x18080] =	vst v63  }
0x34: {  	v3 =	vadd.s32 v1, v3  }
0x35: {  	[tilespmem:s16], [sflag:$0x1] =	stream.indirect_vreg.gather [hbm4b:s4+s2], $0x80, v4, vm0, $0xb8;
	[tilespmem:$0x18080] =	vst v63  }
0x36: {  	_ = 	snop  }
0x37: {  	[tilespmem:s17], [sflag:$0x1] =	stream.indirect_vreg.gather [hbm4b:s5+s2], $0x80, v4, vm0, $0xb8;
	[tilespmem:$0x18080] =	vst v63  }
0x38: {  	_ = 	snop  }
0x39: {  	[tilespmem:s18], [sflag:$0x1] =	stream.indirect_vreg.gather [hbm4b:s3+s2], $0x80, v3, vm0, $0xb8;
	[tilespmem:$0x18080] =	vst v63  }
0x3a: {  	_ = 	snop  }
0x3b: {  	[tilespmem:s19], [sflag:$0x1] =	stream.indirect_vreg.gather [hbm4b:s4+s2], $0x80, v3, vm0, $0xb8;
	[tilespmem:$0x18080] =	vst v63  }
0x3c: {  	_ = 	snop  }
0x3d: {  	[tilespmem:s20], [sflag:$0x1] =	stream.indirect_vreg.gather [hbm4b:s5+s2], $0x80, v3, vm0, $0xb8;
	[tilespmem:$0x18080] =	vst v63  }
0x3e: {  	v3 =	vld [tilespmem:$0x20];
	_ =	sdelay $0x4  }
0x3f: {  	v50 =	vshrl.u32 v3, $0x3  }
0x40: {  	v4 =	vmul.u32 $0x30, v50  }
0x41: {  	v3 =	vand.u32 $0x7, v3  }
0x42: {  	v3 =	vor.u32 v3, v4  }
0x43: {  	v4 =	vperm.xlane v3, v0;
	_ =	sdelay $0x1  }
0x44: {  	v4 =	vadd.s32 v1, v4;
	_ =	sdelay $0x3  }
0x45: {  	v3 =	vperm.xlane v3, v2  }
0x46: {  	[tilespmem:s21], [sflag:$0x1] =	stream.indirect_vreg.gather [hbm4b:s3+s2], $0x80, v4, vm0, $0xb8;
	[tilespmem:$0x18080] =	vst v63  }
0x47: {  	v3 =	vadd.s32 v1, v3  }
0x48: {  	[tilespmem:s22], [sflag:$0x1] =	stream.indirect_vreg.gather [hbm4b:s4+s2], $0x80, v4, vm0, $0xb8;
	[tilespmem:$0x18080] =	vst v63  }
0x49: {  	_ = 	snop  }
0x4a: {  	[tilespmem:s23], [sflag:$0x1] =	stream.indirect_vreg.gather [hbm4b:s5+s2], $0x80, v4, vm0, $0xb8;
	[tilespmem:$0x18080] =	vst v63  }
0x4b: {  	_ = 	snop  }
0x4c: {  	[tilespmem:s24], [sflag:$0x1] =	stream.indirect_vreg.gather [hbm4b:s3+s2], $0x80, v3, vm0, $0xb8;
	[tilespmem:$0x18080] =	vst v63  }
0x4d: {  	_ = 	snop  }
0x4e: {  	[tilespmem:s25], [sflag:$0x1] =	stream.indirect_vreg.gather [hbm4b:s4+s2], $0x80, v3, vm0, $0xb8;
	[tilespmem:$0x18080] =	vst v63  }
0x4f: {  	_ = 	snop  }
0x50: {  	[tilespmem:s26], [sflag:$0x1] =	stream.indirect_vreg.gather [hbm4b:s5+s2], $0x80, v3, vm0, $0xb8;
	[tilespmem:$0x18080] =	vst v63  }
0x51: {  	v3 =	vld [tilespmem:$0x30];
	_ =	sdelay $0x4  }
0x52: {  	v51 =	vshrl.u32 v3, $0x3  }
0x53: {  	v4 =	vmul.u32 $0x30, v51  }
0x54: {  	v3 =	vand.u32 $0x7, v3  }
0x55: {  	v3 =	vor.u32 v3, v4  }
0x56: {  	v4 =	vperm.xlane v3, v0;
	_ =	sdelay $0x1  }
0x57: {  	v4 =	vadd.s32 v1, v4;
	_ =	sdelay $0x3  }
0x58: {  	v3 =	vperm.xlane v3, v2  }
0x59: {  	[tilespmem:s28], [sflag:$0x1] =	stream.indirect_vreg.gather [hbm4b:s3+s2], $0x80, v4, vm0, $0xb8;
	[tilespmem:$0x18080] =	vst v63  }
0x5a: {  	v3 =	vadd.s32 v1, v3  }
0x5b: {  	[tilespmem:s29], [sflag:$0x1] =	stream.indirect_vreg.gather [hbm4b:s4+s2], $0x80, v4, vm0, $0xb8;
	[tilespmem:$0x18080] =	vst v63  }
0x5c: {  	_ = 	snop  }
0x5d: {  	[tilespmem:s30], [sflag:$0x1] =	stream.indirect_vreg.gather [hbm4b:s5+s2], $0x80, v4, vm0, $0xb8;
	[tilespmem:$0x18080] =	vst v63  }
0x5e: {  	_ = 	snop  }
0x5f: {  	[tilespmem:s31], [sflag:$0x1] =	stream.indirect_vreg.gather [hbm4b:s3+s2], $0x80, v3, vm0, $0xb8;
	[tilespmem:$0x18080] =	vst v63  }
0x60: {  	s1 =	simm.s32 $0xB080  }
0x61: {  	[tilespmem:s1], [sflag:$0x1] =	stream.indirect_vreg.gather [hbm4b:s4+s2], $0x80, v3, vm0, $0xb8;
	[tilespmem:$0x18080] =	vst v63  }
0x62: {  	s0 =	simm.s32 $0xB880  }
0x63: {  	[tilespmem:s0], [sflag:$0x1] =	stream.indirect_vreg.gather [hbm4b:s5+s2], $0x80, v3, vm0, $0xb8;
	[tilespmem:$0x18080] =	vst v63  }
0x64: {  	v3 =	vld [tilespmem:$0x40];
	_ =	sdelay $0x4  }
0x65: {  	v52 =	vshrl.u32 v3, $0x3  }
0x66: {  	v4 =	vmul.u32 $0x30, v52  }
0x67: {  	v3 =	vand.u32 $0x7, v3  }
0x68: {  	v3 =	vor.u32 v3, v4  }
0x69: {  	v4 =	vperm.xlane v3, v0;
	_ =	sdelay $0x1  }
0x6a: {  	v4 =	vadd.s32 v1, v4;
	_ =	sdelay $0x3  }
0x6b: {  	s9 =	simm.s32 $0xC080;
	v3 =	vperm.xlane v3, v2  }
0x6c: {  	[tilespmem:s9], [sflag:$0x1] =	stream.indirect_vreg.gather [hbm4b:s3+s2], $0x80, v4, vm0, $0xb8;
	[tilespmem:$0x18080] =	vst v63  }
0x6d: {  	v3 =	vadd.s32 v1, v3;
	s9 =	simm.s32 $0xC880  }
0x6e: {  	[tilespmem:s9], [sflag:$0x1] =	stream.indirect_vreg.gather [hbm4b:s4+s2], $0x80, v4, vm0, $0xb8;
	[tilespmem:$0x18080] =	vst v63  }
0x6f: {  	s9 =	simm.s32 $0xD080  }
0x70: {  	[tilespmem:s9], [sflag:$0x1] =	stream.indirect_vreg.gather [hbm4b:s5+s2], $0x80, v4, vm0, $0xb8;
	[tilespmem:$0x18080] =	vst v63  }
0x71: {  	s9 =	simm.s32 $0xD880  }
0x72: {  	[tilespmem:s9], [sflag:$0x1] =	stream.indirect_vreg.gather [hbm4b:s3+s2], $0x80, v3, vm0, $0xb8;
	[tilespmem:$0x18080] =	vst v63  }
0x73: {  	s9 =	simm.s32 $0xE080  }
0x74: {  	[tilespmem:s9], [sflag:$0x1] =	stream.indirect_vreg.gather [hbm4b:s4+s2], $0x80, v3, vm0, $0xb8;
	[tilespmem:$0x18080] =	vst v63  }
0x75: {  	s9 =	simm.s32 $0xE880  }
0x76: {  	[tilespmem:s9], [sflag:$0x1] =	stream.indirect_vreg.gather [hbm4b:s5+s2], $0x80, v3, vm0, $0xb8;
	[tilespmem:$0x18080] =	vst v63  }
0x77: {  	v3 =	vld [tilespmem:$0x50];
	_ =	sdelay $0x4  }
0x78: {  	v53 =	vshrl.u32 v3, $0x3  }
0x79: {  	v4 =	vmul.u32 $0x30, v53  }
0x7a: {  	v3 =	vand.u32 $0x7, v3  }
0x7b: {  	v3 =	vor.u32 v3, v4  }
0x7c: {  	v4 =	vperm.xlane v3, v0;
	_ =	sdelay $0x1  }
0x7d: {  	v4 =	vadd.s32 v1, v4;
	_ =	sdelay $0x3  }
0x7e: {  	s9 =	simm.s32 $0xF080;
	v3 =	vperm.xlane v3, v2  }
0x7f: {  	[tilespmem:s9], [sflag:$0x1] =	stream.indirect_vreg.gather [hbm4b:s3+s2], $0x80, v4, vm0, $0xb8;
	[tilespmem:$0x18080] =	vst v63  }
0x80: {  	v3 =	vadd.s32 v1, v3;
	s9 =	simm.s32 $0xF880  }
0x81: {  	[tilespmem:s9], [sflag:$0x1] =	stream.indirect_vreg.gather [hbm4b:s4+s2], $0x80, v4, vm0, $0xb8;
	[tilespmem:$0x18080] =	vst v63  }
0x82: {  	s9 =	simm.s32 $0x10080  }
0x83: {  	[tilespmem:s9], [sflag:$0x1] =	stream.indirect_vreg.gather [hbm4b:s5+s2], $0x80, v4, vm0, $0xb8;
	[tilespmem:$0x18080] =	vst v63  }
0x84: {  	s9 =	simm.s32 $0x10880  }
0x85: {  	[tilespmem:s9], [sflag:$0x1] =	stream.indirect_vreg.gather [hbm4b:s3+s2], $0x80, v3, vm0, $0xb8;
	[tilespmem:$0x18080] =	vst v63  }
0x86: {  	s9 =	simm.s32 $0x11080  }
0x87: {  	[tilespmem:s9], [sflag:$0x1] =	stream.indirect_vreg.gather [hbm4b:s4+s2], $0x80, v3, vm0, $0xb8;
	[tilespmem:$0x18080] =	vst v63  }
0x88: {  	s9 =	simm.s32 $0x11880  }
0x89: {  	[tilespmem:s9], [sflag:$0x1] =	stream.indirect_vreg.gather [hbm4b:s5+s2], $0x80, v3, vm0, $0xb8;
	[tilespmem:$0x18080] =	vst v63  }
0x8a: {  	v3 =	vld [tilespmem:$0x60];
	_ =	sdelay $0x4  }
0x8b: {  	v54 =	vshrl.u32 v3, $0x3  }
0x8c: {  	v4 =	vmul.u32 $0x30, v54  }
0x8d: {  	v3 =	vand.u32 $0x7, v3  }
0x8e: {  	v3 =	vor.u32 v3, v4  }
0x8f: {  	v4 =	vperm.xlane v3, v0;
	_ =	sdelay $0x1  }
0x90: {  	v4 =	vadd.s32 v1, v4;
	_ =	sdelay $0x3  }
0x91: {  	s9 =	simm.s32 $0x12080;
	v3 =	vperm.xlane v3, v2  }
0x92: {  	[tilespmem:s9], [sflag:$0x1] =	stream.indirect_vreg.gather [hbm4b:s3+s2], $0x80, v4, vm0, $0xb8;
	[tilespmem:$0x18080] =	vst v63  }
0x93: {  	v3 =	vadd.s32 v1, v3;
	s9 =	simm.s32 $0x12880  }
0x94: {  	[tilespmem:s9], [sflag:$0x1] =	stream.indirect_vreg.gather [hbm4b:s4+s2], $0x80, v4, vm0, $0xb8;
	[tilespmem:$0x18080] =	vst v63  }
0x95: {  	s9 =	simm.s32 $0x13080  }
0x96: {  	[tilespmem:s9], [sflag:$0x1] =	stream.indirect_vreg.gather [hbm4b:s5+s2], $0x80, v4, vm0, $0xb8;
	[tilespmem:$0x18080] =	vst v63  }
0x97: {  	s9 =	simm.s32 $0x13880  }
0x98: {  	[tilespmem:s9], [sflag:$0x1] =	stream.indirect_vreg.gather [hbm4b:s3+s2], $0x80, v3, vm0, $0xb8;
	[tilespmem:$0x18080] =	vst v63  }
0x99: {  	s9 =	simm.s32 $0x14080  }
0x9a: {  	[tilespmem:s9], [sflag:$0x1] =	stream.indirect_vreg.gather [hbm4b:s4+s2], $0x80, v3, vm0, $0xb8;
	[tilespmem:$0x18080] =	vst v63  }
0x9b: {  	s9 =	simm.s32 $0x14880  }
0x9c: {  	[tilespmem:s9], [sflag:$0x1] =	stream.indirect_vreg.gather [hbm4b:s5+s2], $0x80, v3, vm0, $0xb8;
	[tilespmem:$0x18080] =	vst v63  }
0x9d: {  	v3 =	vld [tilespmem:$0x70];
	_ =	sdelay $0x4  }
0x9e: {  	v55 =	vshrl.u32 v3, $0x3  }
0x9f: {  	v4 =	vmul.u32 $0x30, v55  }
0xa0: {  	v3 =	vand.u32 $0x7, v3  }
0xa1: {  	v3 =	vor.u32 v3, v4  }
0xa2: {  	v4 =	vperm.xlane v3, v0;
	_ =	sdelay $0x1  }
0xa3: {  	v4 =	vadd.s32 v1, v4;
	_ =	sdelay $0x3  }
0xa4: {  	s9 =	simm.s32 $0x15080;
	v3 =	vperm.xlane v3, v2  }
0xa5: {  	[tilespmem:s9], [sflag:$0x1] =	stream.indirect_vreg.gather [hbm4b:s3+s2], $0x80, v4, vm0, $0xb8;
	[tilespmem:$0x18080] =	vst v63  }
0xa6: {  	v3 =	vadd.s32 v1, v3;
	s9 =	simm.s32 $0x15880  }
0xa7: {  	[tilespmem:s9], [sflag:$0x1] =	stream.indirect_vreg.gather [hbm4b:s4+s2], $0x80, v4, vm0, $0xb8;
	[tilespmem:$0x18080] =	vst v63  }
0xa8: {  	s9 =	simm.s32 $0x16080  }
0xa9: {  	[tilespmem:s9], [sflag:$0x1] =	stream.indirect_vreg.gather [hbm4b:s5+s2], $0x80, v4, vm0, $0xb8;
	[tilespmem:$0x18080] =	vst v63  }
0xaa: {  	s9 =	simm.s32 $0x16880  }
0xab: {  	[tilespmem:s9], [sflag:$0x1] =	stream.indirect_vreg.gather [hbm4b:s3+s2], $0x80, v3, vm0, $0xb8;
	[tilespmem:$0x18080] =	vst v63  }
0xac: {  	s9 =	simm.s32 $0x17080  }
0xad: {  	[tilespmem:s9], [sflag:$0x1] =	stream.indirect_vreg.gather [hbm4b:s4+s2], $0x80, v3, vm0, $0xb8;
	[tilespmem:$0x18080] =	vst v63  }
0xae: {  	s9 =	simm.s32 $0x17880  }
0xaf: {  	[tilespmem:s9], [sflag:$0x1] =	stream.indirect_vreg.gather [hbm4b:s5+s2], $0x80, v3, vm0, $0xb8;
	[tilespmem:$0x18080] =	vst v63  }
0xb0: {  	_ =	swait.ge [sflag:s8], $0x18000  }
0xb1: {  	[sflag:s8] =	ssyncset.done $0x0  }
0xb2: {  	s0 =	simm.s32 $0x80;
	s9 =	rddreg [dreg:$0x4];
	[sflag:s8] =	ssyncadd.s32 $0xFFFE8000  }
0xb3: {  	[hbm4b:s9+s2] =	stream.linear.scatter [tilespmem:s0], [sflag:$0x2], $0x18000, $0x38;
	[tilespmem:$0x18080] =	vst v63  }
0xb4: {  	_ =	swait.ge [sflag:s7], $0x18000  }
0xb5: {  	[sflag:s7] =	ssyncset.done $0x0  }
0xb6: {  	s9 =	rddreg [dreg:$0x5];
	[sflag:s7] =	ssyncadd.s32 $0xFFFE8000  }
0xb7: {  	[tilespmem:s2], [sflag:$0x2] =	stream.linear.gather [hbm4b:s9+s2], $0x80, $0x38;
	[tilespmem:$0x18080] =	vst v63  }
0xb8: {  	_ =	swait.ge [sflag:s7], $0x80  }
0xb9: {  	[sflag:s7] =	ssyncset.done $0x0  }
0xba: {  	[sflag:s7] =	ssyncadd.s32 $0xFFFFFF80  }
0xbb: {  	v3 =	vld [tilespmem:$0x0];
	_ =	sdelay $0x4  }
0xbc: {  	v56 =	vshrl.u32 v3, $0x3  }
0xbd: {  	v4 =	vmul.u32 $0x30, v56  }
0xbe: {  	v3 =	vand.u32 $0x7, v3  }
0xbf: {  	v3 =	vor.u32 v3, v4  }
0xc0: {  	v4 =	vperm.xlane v3, v0;
	_ =	sdelay $0x1  }
0xc1: {  	v4 =	vadd.s32 v1, v4;
	_ =	sdelay $0x3  }
0xc2: {  	v3 =	vperm.xlane v3, v2  }
0xc3: {  	[tilespmem:s0], [sflag:$0x1] =	stream.indirect_vreg.gather [hbm4b:s3+s2], $0x80, v4, vm0, $0xb8;
	[tilespmem:$0x18080] =	vst v63  }
0xc4: {  	v3 =	vadd.s32 v1, v3  }
0xc5: {  	[tilespmem:s10], [sflag:$0x1] =	stream.indirect_vreg.gather [hbm4b:s4+s2], $0x80, v4, vm0, $0xb8;
	[tilespmem:$0x18080] =	vst v63  }
0xc6: {  	_ = 	snop  }
0xc7: {  	[tilespmem:s11], [sflag:$0x1] =	stream.indirect_vreg.gather [hbm4b:s5+s2], $0x80, v4, vm0, $0xb8;
	[tilespmem:$0x18080] =	vst v63  }
0xc8: {  	_ = 	snop  }
0xc9: {  	[tilespmem:s12], [sflag:$0x1] =	stream.indirect_vreg.gather [hbm4b:s3+s2], $0x80, v3, vm0, $0xb8;
	[tilespmem:$0x18080] =	vst v63  }
0xca: {  	_ = 	snop  }
0xcb: {  	[tilespmem:s13], [sflag:$0x1] =	stream.indirect_vreg.gather [hbm4b:s4+s2], $0x80, v3, vm0, $0xb8;
	[tilespmem:$0x18080] =	vst v63  }
0xcc: {  	_ = 	snop  }
0xcd: {  	[tilespmem:s14], [sflag:$0x1] =	stream.indirect_vreg.gather [hbm4b:s5+s2], $0x80, v3, vm0, $0xb8;
	[tilespmem:$0x18080] =	vst v63  }
0xce: {  	v3 =	vld [tilespmem:$0x10];
	_ =	sdelay $0x4  }
0xcf: {  	v57 =	vshrl.u32 v3, $0x3  }
0xd0: {  	v4 =	vmul.u32 $0x30, v57  }
0xd1: {  	v3 =	vand.u32 $0x7, v3  }
0xd2: {  	v3 =	vor.u32 v3, v4  }
0xd3: {  	v4 =	vperm.xlane v3, v0;
	_ =	sdelay $0x1  }
0xd4: {  	v4 =	vadd.s32 v1, v4;
	_ =	sdelay $0x3  }
0xd5: {  	v3 =	vperm.xlane v3, v2  }
0xd6: {  	[tilespmem:s15], [sflag:$0x1] =	stream.indirect_vreg.gather [hbm4b:s3+s2], $0x80, v4, vm0, $0xb8;
	[tilespmem:$0x18080] =	vst v63  }
0xd7: {  	v3 =	vadd.s32 v1, v3  }
0xd8: {  	[tilespmem:s16], [sflag:$0x1] =	stream.indirect_vreg.gather [hbm4b:s4+s2], $0x80, v4, vm0, $0xb8;
	[tilespmem:$0x18080] =	vst v63  }
0xd9: {  	_ = 	snop  }
0xda: {  	[tilespmem:s17], [sflag:$0x1] =	stream.indirect_vreg.gather [hbm4b:s5+s2], $0x80, v4, vm0, $0xb8;
	[tilespmem:$0x18080] =	vst v63  }
0xdb: {  	_ = 	snop  }
0xdc: {  	[tilespmem:s18], [sflag:$0x1] =	stream.indirect_vreg.gather [hbm4b:s3+s2], $0x80, v3, vm0, $0xb8;
	[tilespmem:$0x18080] =	vst v63  }
0xdd: {  	_ = 	snop  }
0xde: {  	[tilespmem:s19], [sflag:$0x1] =	stream.indirect_vreg.gather [hbm4b:s4+s2], $0x80, v3, vm0, $0xb8;
	[tilespmem:$0x18080] =	vst v63  }
0xdf: {  	_ = 	snop  }
0xe0: {  	[tilespmem:s20], [sflag:$0x1] =	stream.indirect_vreg.gather [hbm4b:s5+s2], $0x80, v3, vm0, $0xb8;
	[tilespmem:$0x18080] =	vst v63  }
0xe1: {  	v3 =	vld [tilespmem:$0x20];
	_ =	sdelay $0x4  }
0xe2: {  	v58 =	vshrl.u32 v3, $0x3  }
0xe3: {  	v4 =	vmul.u32 $0x30, v58  }
0xe4: {  	v3 =	vand.u32 $0x7, v3  }
0xe5: {  	v3 =	vor.u32 v3, v4  }
0xe6: {  	v4 =	vperm.xlane v3, v0;
	_ =	sdelay $0x1  }
0xe7: {  	v4 =	vadd.s32 v1, v4;
	_ =	sdelay $0x3  }
0xe8: {  	v3 =	vperm.xlane v3, v2  }
0xe9: {  	[tilespmem:s21], [sflag:$0x1] =	stream.indirect_vreg.gather [hbm4b:s3+s2], $0x80, v4, vm0, $0xb8;
	[tilespmem:$0x18080] =	vst v63  }
0xea: {  	v3 =	vadd.s32 v1, v3  }
0xeb: {  	[tilespmem:s22], [sflag:$0x1] =	stream.indirect_vreg.gather [hbm4b:s4+s2], $0x80, v4, vm0, $0xb8;
	[tilespmem:$0x18080] =	vst v63  }
0xec: {  	_ = 	snop  }
0xed: {  	[tilespmem:s23], [sflag:$0x1] =	stream.indirect_vreg.gather [hbm4b:s5+s2], $0x80, v4, vm0, $0xb8;
	[tilespmem:$0x18080] =	vst v63  }
0xee: {  	_ = 	snop  }
0xef: {  	[tilespmem:s24], [sflag:$0x1] =	stream.indirect_vreg.gather [hbm4b:s3+s2], $0x80, v3, vm0, $0xb8;
	[tilespmem:$0x18080] =	vst v63  }
0xf0: {  	_ = 	snop  }
0xf1: {  	[tilespmem:s25], [sflag:$0x1] =	stream.indirect_vreg.gather [hbm4b:s4+s2], $0x80, v3, vm0, $0xb8;
	[tilespmem:$0x18080] =	vst v63  }
0xf2: {  	_ = 	snop  }
0xf3: {  	[tilespmem:s26], [sflag:$0x1] =	stream.indirect_vreg.gather [hbm4b:s5+s2], $0x80, v3, vm0, $0xb8;
	[tilespmem:$0x18080] =	vst v63  }
0xf4: {  	v3 =	vld [tilespmem:$0x30];
	_ =	sdelay $0x4  }
0xf5: {  	v59 =	vshrl.u32 v3, $0x3  }
0xf6: {  	v4 =	vmul.u32 $0x30, v59  }
0xf7: {  	v3 =	vand.u32 $0x7, v3  }
0xf8: {  	v3 =	vor.u32 v3, v4  }
0xf9: {  	v4 =	vperm.xlane v3, v0;
	_ =	sdelay $0x1  }
0xfa: {  	v4 =	vadd.s32 v1, v4;
	_ =	sdelay $0x3  }
0xfb: {  	v3 =	vperm.xlane v3, v2  }
0xfc: {  	[tilespmem:s28], [sflag:$0x1] =	stream.indirect_vreg.gather [hbm4b:s3+s2], $0x80, v4, vm0, $0xb8;
	[tilespmem:$0x18080] =	vst v63  }
0xfd: {  	v3 =	vadd.s32 v1, v3  }
0xfe: {  	[tilespmem:s29], [sflag:$0x1] =	stream.indirect_vreg.gather [hbm4b:s4+s2], $0x80, v4, vm0, $0xb8;
	[tilespmem:$0x18080] =	vst v63  }
0xff: {  	_ = 	snop  }
0x100: {  	[tilespmem:s30], [sflag:$0x1] =	stream.indirect_vreg.gather [hbm4b:s5+s2], $0x80, v4, vm0, $0xb8;
	[tilespmem:$0x18080] =	vst v63  }
0x101: {  	_ = 	snop  }
0x102: {  	[tilespmem:s31], [sflag:$0x1] =	stream.indirect_vreg.gather [hbm4b:s3+s2], $0x80, v3, vm0, $0xb8;
	[tilespmem:$0x18080] =	vst v63  }
0x103: {  	_ = 	snop  }
0x104: {  	[tilespmem:s1], [sflag:$0x1] =	stream.indirect_vreg.gather [hbm4b:s4+s2], $0x80, v3, vm0, $0xb8;
	[tilespmem:$0x18080] =	vst v63  }
0x105: {  	s9 =	simm.s32 $0xB880  }
0x106: {  	[tilespmem:s9], [sflag:$0x1] =	stream.indirect_vreg.gather [hbm4b:s5+s2], $0x80, v3, vm0, $0xb8;
	[tilespmem:$0x18080] =	vst v63  }
0x107: {  	v3 =	vld [tilespmem:$0x40];
	_ =	sdelay $0x4  }
0x108: {  	v60 =	vshrl.u32 v3, $0x3  }
0x109: {  	v4 =	vmul.u32 $0x30, v60  }
0x10a: {  	v3 =	vand.u32 $0x7, v3  }
0x10b: {  	v3 =	vor.u32 v3, v4  }
0x10c: {  	v4 =	vperm.xlane v3, v0;
	_ =	sdelay $0x1  }
0x10d: {  	v4 =	vadd.s32 v1, v4;
	_ =	sdelay $0x3  }
0x10e: {  	s1 =	simm.s32 $0xC080;
	v3 =	vperm.xlane v3, v2  }
0x10f: {  	[tilespmem:s1], [sflag:$0x1] =	stream.indirect_vreg.gather [hbm4b:s3+s2], $0x80, v4, vm0, $0xb8;
	[tilespmem:$0x18080] =	vst v63  }
0x110: {  	s9 =	simm.s32 $0xC880;
	v3 =	vadd.s32 v1, v3  }
0x111: {  	[tilespmem:s9], [sflag:$0x1] =	stream.indirect_vreg.gather [hbm4b:s4+s2], $0x80, v4, vm0, $0xb8;
	[tilespmem:$0x18080] =	vst v63  }
0x112: {  	s1 =	simm.s32 $0xD080  }
0x113: {  	[tilespmem:s1], [sflag:$0x1] =	stream.indirect_vreg.gather [hbm4b:s5+s2], $0x80, v4, vm0, $0xb8;
	[tilespmem:$0x18080] =	vst v63  }
0x114: {  	s9 =	simm.s32 $0xD880  }
0x115: {  	[tilespmem:s9], [sflag:$0x1] =	stream.indirect_vreg.gather [hbm4b:s3+s2], $0x80, v3, vm0, $0xb8;
	[tilespmem:$0x18080] =	vst v63  }
0x116: {  	s1 =	simm.s32 $0xE080  }
0x117: {  	[tilespmem:s1], [sflag:$0x1] =	stream.indirect_vreg.gather [hbm4b:s4+s2], $0x80, v3, vm0, $0xb8;
	[tilespmem:$0x18080] =	vst v63  }
0x118: {  	s9 =	simm.s32 $0xE880  }
0x119: {  	[tilespmem:s9], [sflag:$0x1] =	stream.indirect_vreg.gather [hbm4b:s5+s2], $0x80, v3, vm0, $0xb8;
	[tilespmem:$0x18080] =	vst v63  }
0x11a: {  	v3 =	vld [tilespmem:$0x50];
	_ =	sdelay $0x4  }
0x11b: {  	v61 =	vshrl.u32 v3, $0x3  }
0x11c: {  	v4 =	vmul.u32 $0x30, v61  }
0x11d: {  	v3 =	vand.u32 $0x7, v3  }
0x11e: {  	v3 =	vor.u32 v3, v4  }
0x11f: {  	v4 =	vperm.xlane v3, v0;
	_ =	sdelay $0x1  }
0x120: {  	v4 =	vadd.s32 v1, v4;
	_ =	sdelay $0x3  }
0x121: {  	s1 =	simm.s32 $0xF080;
	v3 =	vperm.xlane v3, v2  }
0x122: {  	[tilespmem:s1], [sflag:$0x1] =	stream.indirect_vreg.gather [hbm4b:s3+s2], $0x80, v4, vm0, $0xb8;
	[tilespmem:$0x18080] =	vst v63  }
0x123: {  	s9 =	simm.s32 $0xF880;
	v3 =	vadd.s32 v1, v3  }
0x124: {  	[tilespmem:s9], [sflag:$0x1] =	stream.indirect_vreg.gather [hbm4b:s4+s2], $0x80, v4, vm0, $0xb8;
	[tilespmem:$0x18080] =	vst v63  }
0x125: {  	s1 =	simm.s32 $0x10080  }
0x126: {  	[tilespmem:s1], [sflag:$0x1] =	stream.indirect_vreg.gather [hbm4b:s5+s2], $0x80, v4, vm0, $0xb8;
	[tilespmem:$0x18080] =	vst v63  }
0x127: {  	s9 =	simm.s32 $0x10880  }
0x128: {  	[tilespmem:s9], [sflag:$0x1] =	stream.indirect_vreg.gather [hbm4b:s3+s2], $0x80, v3, vm0, $0xb8;
	[tilespmem:$0x18080] =	vst v63  }
0x129: {  	s1 =	simm.s32 $0x11080  }
0x12a: {  	[tilespmem:s1], [sflag:$0x1] =	stream.indirect_vreg.gather [hbm4b:s4+s2], $0x80, v3, vm0, $0xb8;
	[tilespmem:$0x18080] =	vst v63  }
0x12b: {  	s9 =	simm.s32 $0x11880  }
0x12c: {  	[tilespmem:s9], [sflag:$0x1] =	stream.indirect_vreg.gather [hbm4b:s5+s2], $0x80, v3, vm0, $0xb8;
	[tilespmem:$0x18080] =	vst v63  }
0x12d: {  	v3 =	vld [tilespmem:$0x60];
	_ =	sdelay $0x4  }
0x12e: {  	v62 =	vshrl.u32 v3, $0x3  }
0x12f: {  	v4 =	vmul.u32 $0x30, v62  }
0x130: {  	v3 =	vand.u32 $0x7, v3  }
0x131: {  	v3 =	vor.u32 v3, v4  }
0x132: {  	v4 =	vperm.xlane v3, v0;
	_ =	sdelay $0x1  }
0x133: {  	v4 =	vadd.s32 v1, v4;
	_ =	sdelay $0x3  }
0x134: {  	s1 =	simm.s32 $0x12080;
	v3 =	vperm.xlane v3, v2  }
0x135: {  	[tilespmem:s1], [sflag:$0x1] =	stream.indirect_vreg.gather [hbm4b:s3+s2], $0x80, v4, vm0, $0xb8;
	[tilespmem:$0x18080] =	vst v63  }
0x136: {  	s9 =	simm.s32 $0x12880;
	v3 =	vadd.s32 v1, v3  }
0x137: {  	[tilespmem:s9], [sflag:$0x1] =	stream.indirect_vreg.gather [hbm4b:s4+s2], $0x80, v4, vm0, $0xb8;
	[tilespmem:$0x18080] =	vst v63  }
0x138: {  	s1 =	simm.s32 $0x13080  }
0x139: {  	[tilespmem:s1], [sflag:$0x1] =	stream.indirect_vreg.gather [hbm4b:s5+s2], $0x80, v4, vm0, $0xb8;
	[tilespmem:$0x18080] =	vst v63  }
0x13a: {  	s9 =	simm.s32 $0x13880  }
0x13b: {  	[tilespmem:s9], [sflag:$0x1] =	stream.indirect_vreg.gather [hbm4b:s3+s2], $0x80, v3, vm0, $0xb8;
	[tilespmem:$0x18080] =	vst v63  }
0x13c: {  	s1 =	simm.s32 $0x14080  }
0x13d: {  	[tilespmem:s1], [sflag:$0x1] =	stream.indirect_vreg.gather [hbm4b:s4+s2], $0x80, v3, vm0, $0xb8;
	[tilespmem:$0x18080] =	vst v63  }
0x13e: {  	s9 =	simm.s32 $0x14880  }
0x13f: {  	[tilespmem:s9], [sflag:$0x1] =	stream.indirect_vreg.gather [hbm4b:s5+s2], $0x80, v3, vm0, $0xb8;
	[tilespmem:$0x18080] =	vst v63  }
0x140: {  	v3 =	vld [tilespmem:$0x70];
	_ =	sdelay $0x4  }
0x141: {  	v63 =	vshrl.u32 v3, $0x3  }
0x142: {  	v4 =	vmul.u32 $0x30, v63  }
0x143: {  	v3 =	vand.u32 $0x7, v3  }
0x144: {  	v3 =	vor.u32 v3, v4  }
0x145: {  	v4 =	vperm.xlane v3, v0;
	_ =	sdelay $0x1  }
0x146: {  	v4 =	vadd.s32 v1, v4;
	_ =	sdelay $0x3  }
0x147: {  	s1 =	simm.s32 $0x15080;
	v3 =	vperm.xlane v3, v2  }
0x148: {  	[tilespmem:s1], [sflag:$0x1] =	stream.indirect_vreg.gather [hbm4b:s3+s2], $0x80, v4, vm0, $0xb8;
	[tilespmem:$0x18080] =	vst v63  }
0x149: {  	s9 =	simm.s32 $0x15880;
	v3 =	vadd.s32 v1, v3  }
0x14a: {  	[tilespmem:s9], [sflag:$0x1] =	stream.indirect_vreg.gather [hbm4b:s4+s2], $0x80, v4, vm0, $0xb8;
	[tilespmem:$0x18080] =	vst v63  }
0x14b: {  	s1 =	simm.s32 $0x16080  }
0x14c: {  	[tilespmem:s1], [sflag:$0x1] =	stream.indirect_vreg.gather [hbm4b:s5+s2], $0x80, v4, vm0, $0xb8;
	[tilespmem:$0x18080] =	vst v63  }
0x14d: {  	s9 =	simm.s32 $0x16880  }
0x14e: {  	[tilespmem:s9], [sflag:$0x1] =	stream.indirect_vreg.gather [hbm4b:s3+s2], $0x80, v3, vm0, $0xb8;
	[tilespmem:$0x18080] =	vst v63  }
0x14f: {  	s1 =	simm.s32 $0x17080  }
0x150: {  	[tilespmem:s1], [sflag:$0x1] =	stream.indirect_vreg.gather [hbm4b:s4+s2], $0x80, v3, vm0, $0xb8;
	[tilespmem:$0x18080] =	vst v63  }
0x151: {  	s9 =	simm.s32 $0x17880  }
0x152: {  	[tilespmem:s9], [sflag:$0x1] =	stream.indirect_vreg.gather [hbm4b:s5+s2], $0x80, v3, vm0, $0xb8;
	[tilespmem:$0x18080] =	vst v63  }
0x153: {  	_ =	swait.ge [sflag:s8], $0x18000  }
0x154: {  	p0 =	sne.s32 s6, $0x1;
	s1 =	simm.s32 $0x80;
	[sflag:s8] =	ssyncset.done $0x0  }
.Ltmp0:
0x155: {  	s0 =	rddreg [dreg:$0x6];
	[sflag:s8] =	ssyncadd.s32 $0xFFFE8000;
	(pc) =	sbr.rel @p0 .LBB2_1-.Ltmp0, $4  }
0x156: {  	[hbm4b:s0+s2] =	stream.linear.scatter [tilespmem:s1], [sflag:$0x2], $0x18000, $0x38;
	[tilespmem:$0x18080] =	vst v63  }
0x157: {  	_ =	swait.ge [sflag:s7], $0x18000  }
0x158: {  	[sflag:s7] =	ssyncset.done $0x0  }
0x159: {  	s6 =	sadd.s32 $0xFFFFFFFF, s6;
	[sflag:s7] =	ssyncadd.s32 $0xFFFE8000  }
0x15a: {  	_ =	sfence.sel $0x180000  }
0x15b: {  	[bflag:$0x0] =	sbarrier.arrive $0xFFFF  }
0x15c: {  	_ =	strace $0x9000004A  }
0x15d: {  	s0 =	stileid.u32;
	[bflag:$0x2] =	sbarrier.arrive $0xFFFF  }
0x15e: {  	p0 =	sne.s32 s0, $0x0;
	s0 =	rddreg [dreg:$0x2]  }
0x15f: {  	s0 =	sadd.s32 @!p0 $0x100000, s0  }
0x160: {  	[sflag:s0] =	ssyncadd.tile.s32 @!p0 $0x1;
	_ =	shalt  }
.Lfunc_end2:
_tile_overlayer_lowered:
.L_overlay_start_2:
0x161: {  	(tag) =	ssettag $0x2  }
0x162: {  	s0 =	rddreg [dreg:$0x0];
	s2 =	stileid.u32  }
0x163: {  	s1 =	rddreg [dreg:$0x1];
	p0 =	sne.s32 s2, $0x0  }
0x164: {  	s3 =	rddreg [dreg:$0x2];
	[bflag:$0x3] =	sbarrier.arrive $0xFFFF;
	s2 =	simm.s32 @!p0 $0x1C02  }
0x165: {  	[timem:s3], [sflag:s2] =	dma.local @!p0 [hbm:s0], s1  }
0x166: {  	s0 =	simm.s32 @!p0 $0x2  }
0x167: {  	_ =	swait.ge @!p0 [sflag:s0], s1  }
0x168: {  	s1 =	ssub.s32 @!p0 $0x0, s1;
	[sflag:s0] =	ssyncset.done @!p0 $0x0  }
0x169: {  	[sflag:s0] =	ssyncadd.s32 @!p0 s1  }
0x16a: {  	[bflag:$0x3] =	sbarrier.arrive $0xFFFF  }
0x16b: {  	_ =	shalt  }

// kernel: kernel.7.cloned.1.call-start
scs
__scs_entry_jumppad:
0x0: {  	(pc) =	sbr.rel $0x88, $3  }
0x1: {  	(tag) =	ssettag $0x0;
	lr =	simm.s32 $0x1  }
0x2: {  	[smem:$0x3F95] =	sst lr;
	_ =	strace $0xD0000000  }
0x3: {  	_ = 	snop  }
0x4: {  	_ = 	snop  }
0x5: {  	_ = 	snop  }
0x6: {  	_ = 	snop  }
0x7: {  	_ = 	snop  }
__scs_overlays_trampoline_lowered:
0x8: {  	[smem:$0x3FA4] =	sst s0  }
0x9: {  	[smem:$0x3FA5] =	sst s1  }
0xa: {  	[smem:$0x3FA6] =	sst s2  }
0xb: {  	[smem:$0x3FA7] =	sst s3  }
0xc: {  	[smem:$0x3FA8] =	sst s4  }
0xd: {  	[smem:$0x3FA9] =	sst s5  }
0xe: {  	[smem:$0x3FAA] =	sst s6  }
0xf: {  	[smem:$0x3FAB] =	sst s7  }
0x10: {  	[smem:$0x3FAC] =	sst s8  }
0x11: {  	[smem:$0x3FAD] =	sst s9;
	s0 =	simm.s32 @!p0 $0x0  }
0x12: {  	s1 =	sld [smem:$0x3F93];
	s0 =	simm.s32 @p0 $0x1  }
0x13: {  	[smem:$0x3FAE] =	sst s0;
	s0 =	simm.s32 @!p1 $0x0  }
0x14: {  	s2 =	sld [smem:$0x3F92];
	s0 =	simm.s32 @p1 $0x1  }
0x15: {  	[smem:$0x3FAF] =	sst s0;
	s0 =	simm.s32 @!p2 $0x0  }
0x16: {  	s3 =	sld [smem:$0x3FDB];
	s0 =	simm.s32 @p2 $0x1  }
0x17: {  	s4 =	simm.s32 $0x1BF5;
	[smem:$0x3FB1] =	sst s0  }
0x18: {  	s0 =	sld [smem:$0x3F94];
	_ =	swait.ge [sflag:s4], $0x0  }
0x19: {  	s7 =	sld [smem:$0x3F95]  }
0x1a: {  	s8 =	sadd.s32 $0xFFFFE003, lr  }
0x1b: {  	s9 =	sadd.s32 $0xFFFFFEF7, lr;
	s5 =	simm.s32 $0xFFFFFFFF;
	p2 =	slt.u32 s8, $0xFFFFF086  }
0x1c: {  	p1 =	slt.u32 s9, $0xF7A;
	s5 =	simm.s32 @!p2 $0x0  }
0x1d: {  	s5 =	simm.s32 @p1 $0x1;
	p0 =	seq.s32 s7, s2  }
0x1e: {  	s7 =	smul.u32 @!p0 $0xF7A, s2;
	p2 =	seq.s32 @!p0 s5, $0x0  }
0x1f: {  	s9 =	smul.u32 $0xF7A, s1;
	s8 =	simm.s32 @!p0 $0x1BF5;
	p2 =	por !p2, p0  }
0x20: {  	[sflag:s8] =	ssyncset.s32 @!p0 $0xFFFFF086;
	s6 =	sadd.s32 @!p0 s3, s7;
	s7 =	simm.s32 @!p0 $0x108  }
0x21: {  	s3 =	sadd.s32 s3, s9;
	s6 =	sadd.s32 @!p0 $0x88, s6;
	s7 =	simm.s32 @p2 $0x1082  }
0x22: {  	[simem:s7], [sflag:s8] =	dma.local @!p0 [hbm:s6], $0xF7A  }
0x23: {  	s9 =	sor.u32 $0xD0000000, s2;
	s6 =	simm.s32 $0x108;
	_ =	swait.ge @!p0 [sflag:s8], $0x0  }
0x24: {  	s3 =	sadd.s32 $0x88, s3;
	s6 =	simm.s32 @!p1 $0x1082;
	[sflag:s4] =	ssyncset.s32 $0xFFFFF086  }
0x25: {  	[simem:s6], [sflag:s4] =	dma.local [hbm:s3], $0xF7A  }
0x26: {  	[smem:$0x3F95] =	sst s1;
	(tag) =	ssettag s2;
	_ =	strace s9  }
0x27: {  	s1 =	sld [smem:$0x3FA5]  }
0x28: {  	s2 =	sld [smem:$0x3FA6]  }
0x29: {  	s4 =	sld [smem:$0x3FA8]  }
0x2a: {  	p0 =	seq.s32 s5, $0x0;
	s5 =	sld [smem:$0x3FA9]  }
0x2b: {  	s6 =	sld [smem:$0x3FAA]  }
0x2c: {  	s7 =	sld [smem:$0x3FAB]  }
0x2d: {  	s3 =	simm.s32 $0x108;
	s8 =	sld [smem:$0x3FAC]  }
0x2e: {  	s3 =	simm.s32 @!p0 $0x1082;
	s9 =	sld [smem:$0x3FAD]  }
0x2f: {  	lr =	sadd.s32 s0, s3;
	s0 =	sld [smem:$0x3FA4]  }
0x30: {  	s3 =	sld [smem:$0x3FA7]  }
0x31: {  	[smem:$0x3FB0] =	sst s10  }
0x32: {  	s10 =	sld [smem:$0x3FAE];
	_ =	sdelay $0x3  }
0x33: {  	p0 =	seq.s32 s10, $0x1;
	s10 =	sld [smem:$0x3FB0];
	_ =	sdelay $0x3  }
0x34: {  	[smem:$0x3FB0] =	sst s10  }
0x35: {  	s10 =	sld [smem:$0x3FAF];
	_ =	sdelay $0x3  }
0x36: {  	p1 =	seq.s32 s10, $0x1;
	s10 =	sld [smem:$0x3FB0];
	_ =	sdelay $0x3  }
0x37: {  	[smem:$0x3FB0] =	sst s10  }
0x38: {  	s10 =	sld [smem:$0x3FB1]  }
0x39: {  	_ = 	snop;
	(pc) =	sbr.ind lr, $3  }
0x3a: {  	_ = 	snop  }
0x3b: {  	_ = 	snop  }
0x3c: {  	p2 =	seq.s32 s10, $0x1;
	s10 =	sld [smem:$0x3FB0]  }
0x3d: {  	_ =	shalt  }
0x3e: {  	_ =	shalt  }
0x3f: {  	_ =	shalt  }
0x40: {  	_ =	shalt  }
0x41: {  	_ =	shalt  }
0x42: {  	_ =	shalt  }
0x43: {  	_ =	shalt  }
0x44: {  	_ =	shalt  }
0x45: {  	_ =	shalt  }
0x46: {  	_ =	shalt  }
0x47: {  	_ =	shalt  }
0x48: {  	_ =	shalt  }
0x49: {  	_ =	shalt  }
0x4a: {  	_ =	shalt  }
0x4b: {  	_ =	shalt  }
0x4c: {  	_ =	shalt  }
0x4d: {  	_ =	shalt  }
0x4e: {  	_ =	shalt  }
0x4f: {  	_ =	shalt  }
0x50: {  	_ =	shalt  }
0x51: {  	_ =	shalt  }
0x52: {  	_ =	shalt  }
0x53: {  	_ =	shalt  }
0x54: {  	_ =	shalt  }
0x55: {  	_ =	shalt  }
0x56: {  	_ =	shalt  }
0x57: {  	_ =	shalt  }
0x58: {  	_ =	shalt  }
0x59: {  	_ =	shalt  }
0x5a: {  	_ =	shalt  }
0x5b: {  	_ =	shalt  }
0x5c: {  	_ =	shalt  }
0x5d: {  	_ =	shalt  }
0x5e: {  	_ =	shalt  }
0x5f: {  	_ =	shalt  }
0x60: {  	_ =	shalt  }
0x61: {  	_ =	shalt  }
0x62: {  	_ =	shalt  }
0x63: {  	_ =	shalt  }
0x64: {  	_ =	shalt  }
0x65: {  	_ =	shalt  }
0x66: {  	_ =	shalt  }
0x67: {  	_ =	shalt  }
0x68: {  	_ =	shalt  }
0x69: {  	_ =	shalt  }
0x6a: {  	_ =	shalt  }
0x6b: {  	_ =	shalt  }
0x6c: {  	_ =	shalt  }
0x6d: {  	_ =	shalt  }
0x6e: {  	_ =	shalt  }
0x6f: {  	_ =	shalt  }
0x70: {  	_ =	shalt  }
0x71: {  	_ =	shalt  }
0x72: {  	_ =	shalt  }
0x73: {  	_ =	shalt  }
0x74: {  	_ =	shalt  }
0x75: {  	_ =	shalt  }
0x76: {  	_ =	shalt  }
0x77: {  	_ =	shalt  }
0x78: {  	_ =	shalt  }
0x79: {  	_ =	shalt  }
0x7a: {  	_ =	shalt  }
0x7b: {  	_ =	shalt  }
0x7c: {  	_ =	shalt  }
0x7d: {  	_ =	shalt  }
0x7e: {  	_ =	shalt  }
0x7f: {  	_ =	shalt  }
0x80: {  	_ =	shalt  }
0x81: {  	_ =	shalt  }
0x82: {  	_ =	shalt  }
0x83: {  	_ =	shalt  }
0x84: {  	_ =	shalt  }
0x85: {  	_ =	shalt  }
0x86: {  	_ =	shalt  }
0x87: {  	_ =	shalt  }
.Lfunc_end0:
.L_simem_size_0:
called_computation_lowered:
.L_overlay_start_0:
0x88: {  	s2 =	sld [smem:$0x3FD9]  }
0x89: {  	s3 =	sld [smem:$0x3FFE];
	_ =	sdelay $0x1  }
0x8a: {  	s1 =	srdreg.scid  }
0x8b: {  	s0 =	sand.u32 $0x1, s1  }
0x8c: {  	s14 =	sshll.u32 s0, $0xA;
	s2 =	sadd.s32 s3, s2  }
0x8d: {  	s2 =	sadd.s32 s2, s14  }
0x8e: {  	[smem:$0x3FBC] =	sst s2  }
0x8f: {  	_ = 	snop  }
0x90: {  	s2 =	sld [smem:$0x3FD0];
	_ =	sdelay $0x2  }
0x91: {  	s4 =	simm.s32 $0xA;
	s5 =	simm.s32 $0x10;
	s15 =	sld [smem:$0x3FC9]  }
0x92: {  	[smem:s5], [sflag:s4] =	dma.local [hbm:s2], $0x1  }
0x93: {  	_ =	swait.eq [sflag:s4], $0x1  }
0x94: {  	[sflag:s4] =	ssyncset.done $0x0  }
0x95: {  	[sflag:s4] =	ssyncadd.s32 $0xFFFFFFFF  }
0x96: {  	s16 =	sld [smem:$0x10];
	(tm) =	ssettm $0x1  }
0x97: {  	s17 =	sld [smem:$0x3FFB];
	_ =	sdelay $0x3  }
0x98: {  	_ =	strace s17  }
0x99: {  	s4 =	sld [smem:$0x3FFC];
	_ =	sdelay $0x3  }
0x9a: {  	_ =	strace s4  }
0x9b: {  	s4 =	sld [smem:$0x3FFD];
	_ =	sdelay $0x3  }
0x9c: {  	_ =	strace s4  }
0x9d: {  	_ =	strace $0x8FFFFFFF  }
0x9e: {  	s18 =	sld [smem:$0x3FDB];
	_ =	sdelay $0x1  }
0x9f: {  	s19 =	simm.s32 $_scs_section_size  }
0xa0: {  	s6 =	simm.s32 $_size__tile_overlayer_lowered;
	s7 =	simm.s32 $_tile_overlayer_lowered  }
0xa1: {  	s22 =	simm.s32 $0x1BFF;
	s21 =	sshll.u32 s7, $0x1;
	s4 =	sadd.s32 s19, s18  }
0xa2: {  	s8 =	simm.s32 $0x0;
	s20 =	sshll.u32 s6, $0x1;
	s6 =	sadd.s32 s21, s4  }
0xa3: {  	[timem:s8], [sflag:s22] =	dma.local [hbm:s6], s20  }
0xa4: {  	_ =	swait.ge [sflag:s22], s20  }
0xa5: {  	s5 =	ssub.s32 $0x0, s20;
	[sflag:s22] =	ssyncset.done $0x0  }
0xa6: {  	[sflag:s22] =	ssyncadd.s32 s5;
	_ =	sdelay $0x1  }
0xa7: {  	s23 =	simm.s32 $0x1B8B  }
0xa8: {  	_ =	swait.ge [sflag:s23], $0x1  }
0xa9: {  	[sflag:s23] =	ssyncset.done $0x0  }
0xaa: {  	s25 =	simm.s32 $0x1B8E;
	s24 =	sld [smem:$0x3FFE];
	[sflag:s23] =	ssyncadd.s32 $0xFFFFFFFF  }
0xab: {  	s26 =	simm.s32 $execute0_lowered;
	[smem:$0x3FD2] =	sst s25  }
0xac: {  	s6 =	sshll.u32 s26, $0x1;
	_ =	strace $0x80000046;
	[dreg:$0x1] =	wrdreg $0xFFFFFFFF  }
0xad: {  	s28 =	simm.s32 $_size_execute0_lowered;
	s4 =	sadd.s32 s4, s6;
	[dreg:$0x0] =	wrdreg $0x0  }
0xae: {  	s6 =	sshll.u32 s28, $0x1;
	[dreg:$0x2] =	wrdreg s4  }
0xaf: {  	[dreg:$0x3] =	wrdreg s6  }
0xb0: {  	[dreg:$0x4] =	wrdreg $0xC0  }
0xb1: {  	_ =	task [dreg:s8], $0x5FFFF  }
0xb2: {  	[dreg:$0x1] =	wrdreg $0xFFFFFFFF  }
0xb3: {  	[dreg:$0x0] =	wrdreg $0x60  }
0xb4: {  	[dreg:$0x2] =	wrdreg s15  }
0xb5: {  	[dreg:$0x3] =	wrdreg s16  }
0xb6: {  	[dreg:$0x4] =	wrdreg s24  }
0xb7: {  	[dreg:$0x5] =	wrdreg $0x9  }
0xb8: {  	_ =	task.clear_ibuf [dreg:s8], $0x6FFFF;
	_ =	strace $0x90000046  }
0xb9: {  	s29 =	simm.s32 $0x9;
	_ =	strace $0x80000048  }
0xba: {  	_ =	swait.ge [sflag:s29], $0x1  }
0xbb: {  	[sflag:s29] =	ssyncadd.s32 $0xFFFFFFFF  }
0xbc: {  	_ =	strace $0x90000048  }
0xbd: {  	_ =	sfence  }
0xbe: {  	s30 =	sld [smem:$0x0];
	_ =	sdelay $0x2  }
0xbf: {  	s31 =	sshll.u32 s1, $0xD;
	s1 =	sshrl.u32 s1, $0x2  }
0xc0: {  	s3 =	sand.u32 $0x4000, s31;
	s1 =	sadd.s32 s1, s30  }
0xc1: {  	s0 =	sor.u32 s3, s0;
	s1 =	sshll.u32 s1, $0x11  }
0xc2: {  	s0 =	sor.u32 s1, s0  }
0xc3: {  	s0 =	sadd.s32 $0x8F2B, s0  }
0xc4: {  	[sflag:s0] =	ssyncadd.remote.s32 $0x1  }
0xc5: {  	_ =	sfence.sel $0xFFFF  }
0xc6: {  	[dreg:$0x0] =	wrdreg $0xFFFFFFFF;
	(pc) =	sbr.abs _section_cstart, $3  }
0xc7: {  	[dreg:$0x1] =	wrdreg $0xFFFFFFFF  }
0xc8: {  	_ =	task.clear_ibuf [dreg:s8], $0x2FFFF;
	_ =	strace $0x9FFFFFFF  }
0xc9: {  	(tm) =	ssettm $0x7FFFFFFF  }
tec
execute0_lowered:
.L_overlay_start_1:
0x0: {  	(tag) =	ssettag $0x1  }
0x1: {  	s0 =	rddreg [dreg:$0x0]  }
0x2: {  	s1 =	rddreg [dreg:$0x1]  }
0x3: {  	s5 =	rddreg [dreg:$0x2];
	s2 =	srdreg.scid  }
0x4: {  	s3 =	stileid.u32;
	s26 =	simm.s32 $0x80;
	s12 =	simm.s32 $0x1900  }
0x5: {  	s13 =	simm.s32 $0x2100;
	s14 =	simm.s32 $0x2900;
	s15 =	simm.s32 $0x3100  }
0x6: {  	s16 =	simm.s32 $0x3900;
	s17 =	simm.s32 $0x4100;
	s18 =	simm.s32 $0x4900  }
0x7: {  	s19 =	simm.s32 $0x5100;
	s20 =	simm.s32 $0x5900;
	s21 =	simm.s32 $0x6100  }
0x8: {  	s22 =	simm.s32 $0x6900;
	s23 =	simm.s32 $0x7100;
	s28 =	simm.s32 $0x9100  }
0x9: {  	s29 =	simm.s32 $0x9900;
	s30 =	simm.s32 $0xA100;
	s31 =	simm.s32 $0xA900  }
0xa: {  	s9 =	simm.s32 $0xC100;
	s4 =	sand.u32 $0x1, s2;
	s2 =	simm.s32 $0x0  }
0xb: {  	s3 =	sshll.u32 s3, $0x5;
	s6 =	sshll.u32 s4, $0x4;
	[smem:$0x7FF] =	sst s2  }
0xc: {  	s4 =	ssub.s32 $0x2, s4;
	s6 =	sor.u32 s6, s3;
	_ =	strace $0x80000047  }
0xd: {  	s3 =	sadd.s32 $0xC00, s5;
	s8 =	sshrl.u32 s4, $0x1;
	[dreg:$0x7] =	wrdreg s26  }
0xe: {  	s26 =	simm.s32 $0x8900;
	s7 =	sadd.s32 s6, s5;
	s1 =	sadd.s32 s1, s6  }
0xf: {  	s6 =	smul.u32 $0x300, s6;
	s25 =	ssub.s32 s4, s8;
	s4 =	sadd.s32 $0xD00, s5  }
0x10: {  	s5 =	sadd.s32 $0xE00, s5;
	s8 =	simm.s32 $0xB900;
	[dreg:$0x4] =	wrdreg s1  }
0x11: {  	v2 =	vlaneseq.u32;
	s24 =	sadd.s32 $0xA00, s7;
	s7 =	simm.s32 $0x3;
	s1 =	simm.s32 $0x100  }
0x12: {  	vm0 =	vmmov $0xffff;
	v1 =	vshrl.u32 v2, $0x3;
	[dreg:$0x5] =	wrdreg s24;
	s0 =	sadd.s32 s0, s6;
	s6 =	smax.u32 s25, $0x1  }
0x13: {  	v0 =	vand.u32 $0x7, v2;
	v2 =	vor.u32 $0x8, v2;
	v1 =	vmul.u32 $0x8, v1;
	s24 =	simm.s32 $0x7900;
	s25 =	simm.s32 $0x8100;
	[dreg:$0x6] =	wrdreg s0  }
.LBB2_1:
0x14: {  	s10 =	rddreg [dreg:$0x4]  }
0x15: {  	[tilespmem:s2], [sflag:$0x3] =	stream.linear.gather [hbm4b:s10+s2], $0x80, $0x38;
	[tilespmem:$0x18100] =	vst v63  }
0x16: {  	_ =	swait.ge [sflag:s7], $0x80  }
0x17: {  	s0 =	rddreg [dreg:$0x5];
	[sflag:s7] =	ssyncset.done $0x0  }
0x18: {  	s11 =	rddreg [dreg:$0x7];
	[sflag:s7] =	ssyncadd.s32 $0xFFFFFF80  }
0x19: {  	[tilespmem:s11], [sflag:$0x3] =	stream.linear.gather [hbm4b:s0+s2], $0x80, $0x38;
	[tilespmem:$0x18100] =	vst v63  }
0x1a: {  	_ =	swait.ge [sflag:s7], $0x80  }
0x1b: {  	[sflag:s7] =	ssyncset.done $0x0  }
0x1c: {  	s0 =	rddreg [dreg:$0x6];
	[sflag:s7] =	ssyncadd.s32 $0xFFFFFF80  }
0x1d: {  	[tilespmem:s1], [sflag:$0x3] =	stream.linear.gather [hbm4b:s0+s2], $0x18000, $0x38;
	[tilespmem:$0x18100] =	vst v63  }
0x1e: {  	_ =	swait.ge [sflag:s7], $0x18000  }
0x1f: {  	[sflag:s7] =	ssyncset.done $0x0  }
0x20: {  	[sflag:s7] =	ssyncadd.s32 $0xFFFE8000  }
0x21: {  	v3 =	vld [tilespmem:$0x0];
	_ =	sdelay $0x4  }
0x22: {  	v4 =	vshrl.u32 v3, $0x3  }
0x23: {  	v4 =	vmul.u32 $0x30, v4  }
0x24: {  	v3 =	vand.u32 $0x7, v3  }
0x25: {  	v3 =	vor.u32 v3, v4  }
0x26: {  	v4 =	vperm.xlane v3, v0;
	_ =	sdelay $0x1  }
0x27: {  	v4 =	vadd.s32 v1, v4;
	_ =	sdelay $0x3  }
0x28: {  	v3 =	vperm.xlane v3, v2  }
0x29: {  	[hbm4b:s3+s2] =	stream.indirect_vreg.scatter [tilespmem:s1], [sflag:$0x1], $0x80, v4, vm0, $0xb8;
	[tilespmem:$0x18100] =	vst v63  }
0x2a: {  	s10 =	simm.s32 $0x900;
	v3 =	vadd.s32 v1, v3  }
0x2b: {  	[hbm4b:s4+s2] =	stream.indirect_vreg.scatter [tilespmem:s10], [sflag:$0x1], $0x80, v4, vm0, $0xb8;
	[tilespmem:$0x18100] =	vst v63  }
0x2c: {  	s11 =	simm.s32 $0x1100  }
0x2d: {  	[hbm4b:s5+s2] =	stream.indirect_vreg.scatter [tilespmem:s11], [sflag:$0x1], $0x80, v4, vm0, $0xb8;
	[tilespmem:$0x18100] =	vst v63  }
0x2e: {  	_ = 	snop  }
0x2f: {  	[hbm4b:s3+s2] =	stream.indirect_vreg.scatter [tilespmem:s12], [sflag:$0x1], $0x80, v3, vm0, $0xb8;
	[tilespmem:$0x18100] =	vst v63  }
0x30: {  	_ = 	snop  }
0x31: {  	[hbm4b:s4+s2] =	stream.indirect_vreg.scatter [tilespmem:s13], [sflag:$0x1], $0x80, v3, vm0, $0xb8;
	[tilespmem:$0x18100] =	vst v63  }
0x32: {  	_ = 	snop  }
0x33: {  	[hbm4b:s5+s2] =	stream.indirect_vreg.scatter [tilespmem:s14], [sflag:$0x1], $0x80, v3, vm0, $0xb8;
	[tilespmem:$0x18100] =	vst v63  }
0x34: {  	v3 =	vld [tilespmem:$0x10];
	_ =	sdelay $0x4  }
0x35: {  	v49 =	vshrl.u32 v3, $0x3  }
0x36: {  	v4 =	vmul.u32 $0x30, v49  }
0x37: {  	v3 =	vand.u32 $0x7, v3  }
0x38: {  	v3 =	vor.u32 v3, v4  }
0x39: {  	v4 =	vperm.xlane v3, v0;
	_ =	sdelay $0x1  }
0x3a: {  	v4 =	vadd.s32 v1, v4;
	_ =	sdelay $0x3  }
0x3b: {  	v3 =	vperm.xlane v3, v2  }
0x3c: {  	[hbm4b:s3+s2] =	stream.indirect_vreg.scatter [tilespmem:s15], [sflag:$0x1], $0x80, v4, vm0, $0xb8;
	[tilespmem:$0x18100] =	vst v63  }
0x3d: {  	v3 =	vadd.s32 v1, v3  }
0x3e: {  	[hbm4b:s4+s2] =	stream.indirect_vreg.scatter [tilespmem:s16], [sflag:$0x1], $0x80, v4, vm0, $0xb8;
	[tilespmem:$0x18100] =	vst v63  }
0x3f: {  	_ = 	snop  }
0x40: {  	[hbm4b:s5+s2] =	stream.indirect_vreg.scatter [tilespmem:s17], [sflag:$0x1], $0x80, v4, vm0, $0xb8;
	[tilespmem:$0x18100] =	vst v63  }
0x41: {  	_ = 	snop  }
0x42: {  	[hbm4b:s3+s2] =	stream.indirect_vreg.scatter [tilespmem:s18], [sflag:$0x1], $0x80, v3, vm0, $0xb8;
	[tilespmem:$0x18100] =	vst v63  }
0x43: {  	_ = 	snop  }
0x44: {  	[hbm4b:s4+s2] =	stream.indirect_vreg.scatter [tilespmem:s19], [sflag:$0x1], $0x80, v3, vm0, $0xb8;
	[tilespmem:$0x18100] =	vst v63  }
0x45: {  	_ = 	snop  }
0x46: {  	[hbm4b:s5+s2] =	stream.indirect_vreg.scatter [tilespmem:s20], [sflag:$0x1], $0x80, v3, vm0, $0xb8;
	[tilespmem:$0x18100] =	vst v63  }
0x47: {  	v3 =	vld [tilespmem:$0x20];
	_ =	sdelay $0x4  }
0x48: {  	v50 =	vshrl.u32 v3, $0x3  }
0x49: {  	v4 =	vmul.u32 $0x30, v50  }
0x4a: {  	v3 =	vand.u32 $0x7, v3  }
0x4b: {  	v3 =	vor.u32 v3, v4  }
0x4c: {  	v4 =	vperm.xlane v3, v0;
	_ =	sdelay $0x1  }
0x4d: {  	v4 =	vadd.s32 v1, v4;
	_ =	sdelay $0x3  }
0x4e: {  	v3 =	vperm.xlane v3, v2  }
0x4f: {  	[hbm4b:s3+s2] =	stream.indirect_vreg.scatter [tilespmem:s21], [sflag:$0x1], $0x80, v4, vm0, $0xb8;
	[tilespmem:$0x18100] =	vst v63  }
0x50: {  	v3 =	vadd.s32 v1, v3  }
0x51: {  	[hbm4b:s4+s2] =	stream.indirect_vreg.scatter [tilespmem:s22], [sflag:$0x1], $0x80, v4, vm0, $0xb8;
	[tilespmem:$0x18100] =	vst v63  }
0x52: {  	_ = 	snop  }
0x53: {  	[hbm4b:s5+s2] =	stream.indirect_vreg.scatter [tilespmem:s23], [sflag:$0x1], $0x80, v4, vm0, $0xb8;
	[tilespmem:$0x18100] =	vst v63  }
0x54: {  	_ = 	snop  }
0x55: {  	[hbm4b:s3+s2] =	stream.indirect_vreg.scatter [tilespmem:s24], [sflag:$0x1], $0x80, v3, vm0, $0xb8;
	[tilespmem:$0x18100] =	vst v63  }
0x56: {  	_ = 	snop  }
0x57: {  	[hbm4b:s4+s2] =	stream.indirect_vreg.scatter [tilespmem:s25], [sflag:$0x1], $0x80, v3, vm0, $0xb8;
	[tilespmem:$0x18100] =	vst v63  }
0x58: {  	_ = 	snop  }
0x59: {  	[hbm4b:s5+s2] =	stream.indirect_vreg.scatter [tilespmem:s26], [sflag:$0x1], $0x80, v3, vm0, $0xb8;
	[tilespmem:$0x18100] =	vst v63  }
0x5a: {  	v3 =	vld [tilespmem:$0x30];
	_ =	sdelay $0x4  }
0x5b: {  	v51 =	vshrl.u32 v3, $0x3  }
0x5c: {  	v4 =	vmul.u32 $0x30, v51  }
0x5d: {  	v3 =	vand.u32 $0x7, v3  }
0x5e: {  	v3 =	vor.u32 v3, v4  }
0x5f: {  	v4 =	vperm.xlane v3, v0;
	_ =	sdelay $0x1  }
0x60: {  	v4 =	vadd.s32 v1, v4;
	_ =	sdelay $0x3  }
0x61: {  	v3 =	vperm.xlane v3, v2  }
0x62: {  	[hbm4b:s3+s2] =	stream.indirect_vreg.scatter [tilespmem:s28], [sflag:$0x1], $0x80, v4, vm0, $0xb8;
	[tilespmem:$0x18100] =	vst v63  }
0x63: {  	v3 =	vadd.s32 v1, v3  }
0x64: {  	[hbm4b:s4+s2] =	stream.indirect_vreg.scatter [tilespmem:s29], [sflag:$0x1], $0x80, v4, vm0, $0xb8;
	[tilespmem:$0x18100] =	vst v63  }
0x65: {  	_ = 	snop  }
0x66: {  	[hbm4b:s5+s2] =	stream.indirect_vreg.scatter [tilespmem:s30], [sflag:$0x1], $0x80, v4, vm0, $0xb8;
	[tilespmem:$0x18100] =	vst v63  }
0x67: {  	_ = 	snop  }
0x68: {  	[hbm4b:s3+s2] =	stream.indirect_vreg.scatter [tilespmem:s31], [sflag:$0x1], $0x80, v3, vm0, $0xb8;
	[tilespmem:$0x18100] =	vst v63  }
0x69: {  	s0 =	simm.s32 $0xB100  }
0x6a: {  	[hbm4b:s4+s2] =	stream.indirect_vreg.scatter [tilespmem:s0], [sflag:$0x1], $0x80, v3, vm0, $0xb8;
	[tilespmem:$0x18100] =	vst v63  }
0x6b: {  	_ = 	snop  }
0x6c: {  	[hbm4b:s5+s2] =	stream.indirect_vreg.scatter [tilespmem:s8], [sflag:$0x1], $0x80, v3, vm0, $0xb8;
	[tilespmem:$0x18100] =	vst v63  }
0x6d: {  	v3 =	vld [tilespmem:$0x40];
	_ =	sdelay $0x4  }
0x6e: {  	v52 =	vshrl.u32 v3, $0x3  }
0x6f: {  	v4 =	vmul.u32 $0x30, v52  }
0x70: {  	v3 =	vand.u32 $0x7, v3  }
0x71: {  	v3 =	vor.u32 v3, v4  }
0x72: {  	v4 =	vperm.xlane v3, v0;
	_ =	sdelay $0x1  }
0x73: {  	v4 =	vadd.s32 v1, v4;
	_ =	sdelay $0x3  }
0x74: {  	v3 =	vperm.xlane v3, v2  }
0x75: {  	[hbm4b:s3+s2] =	stream.indirect_vreg.scatter [tilespmem:s9], [sflag:$0x1], $0x80, v4, vm0, $0xb8;
	[tilespmem:$0x18100] =	vst v63  }
0x76: {  	s0 =	simm.s32 $0xC900;
	v3 =	vadd.s32 v1, v3  }
0x77: {  	[hbm4b:s4+s2] =	stream.indirect_vreg.scatter [tilespmem:s0], [sflag:$0x1], $0x80, v4, vm0, $0xb8;
	[tilespmem:$0x18100] =	vst v63  }
0x78: {  	s0 =	simm.s32 $0xD100  }
0x79: {  	[hbm4b:s5+s2] =	stream.indirect_vreg.scatter [tilespmem:s0], [sflag:$0x1], $0x80, v4, vm0, $0xb8;
	[tilespmem:$0x18100] =	vst v63  }
0x7a: {  	s0 =	simm.s32 $0xD900  }
0x7b: {  	[hbm4b:s3+s2] =	stream.indirect_vreg.scatter [tilespmem:s0], [sflag:$0x1], $0x80, v3, vm0, $0xb8;
	[tilespmem:$0x18100] =	vst v63  }
0x7c: {  	s0 =	simm.s32 $0xE100  }
0x7d: {  	[hbm4b:s4+s2] =	stream.indirect_vreg.scatter [tilespmem:s0], [sflag:$0x1], $0x80, v3, vm0, $0xb8;
	[tilespmem:$0x18100] =	vst v63  }
0x7e: {  	s0 =	simm.s32 $0xE900  }
0x7f: {  	[hbm4b:s5+s2] =	stream.indirect_vreg.scatter [tilespmem:s0], [sflag:$0x1], $0x80, v3, vm0, $0xb8;
	[tilespmem:$0x18100] =	vst v63  }
0x80: {  	v3 =	vld [tilespmem:$0x50];
	_ =	sdelay $0x4  }
0x81: {  	v53 =	vshrl.u32 v3, $0x3  }
0x82: {  	v4 =	vmul.u32 $0x30, v53  }
0x83: {  	v3 =	vand.u32 $0x7, v3  }
0x84: {  	v3 =	vor.u32 v3, v4  }
0x85: {  	v4 =	vperm.xlane v3, v0;
	_ =	sdelay $0x1  }
0x86: {  	v4 =	vadd.s32 v1, v4;
	_ =	sdelay $0x3  }
0x87: {  	s0 =	simm.s32 $0xF100;
	v3 =	vperm.xlane v3, v2  }
0x88: {  	[hbm4b:s3+s2] =	stream.indirect_vreg.scatter [tilespmem:s0], [sflag:$0x1], $0x80, v4, vm0, $0xb8;
	[tilespmem:$0x18100] =	vst v63  }
0x89: {  	v3 =	vadd.s32 v1, v3;
	s0 =	simm.s32 $0xF900  }
0x8a: {  	[hbm4b:s4+s2] =	stream.indirect_vreg.scatter [tilespmem:s0], [sflag:$0x1], $0x80, v4, vm0, $0xb8;
	[tilespmem:$0x18100] =	vst v63  }
0x8b: {  	s0 =	simm.s32 $0x10100  }
0x8c: {  	[hbm4b:s5+s2] =	stream.indirect_vreg.scatter [tilespmem:s0], [sflag:$0x1], $0x80, v4, vm0, $0xb8;
	[tilespmem:$0x18100] =	vst v63  }
0x8d: {  	s0 =	simm.s32 $0x10900  }
0x8e: {  	[hbm4b:s3+s2] =	stream.indirect_vreg.scatter [tilespmem:s0], [sflag:$0x1], $0x80, v3, vm0, $0xb8;
	[tilespmem:$0x18100] =	vst v63  }
0x8f: {  	s0 =	simm.s32 $0x11100  }
0x90: {  	[hbm4b:s4+s2] =	stream.indirect_vreg.scatter [tilespmem:s0], [sflag:$0x1], $0x80, v3, vm0, $0xb8;
	[tilespmem:$0x18100] =	vst v63  }
0x91: {  	s0 =	simm.s32 $0x11900  }
0x92: {  	[hbm4b:s5+s2] =	stream.indirect_vreg.scatter [tilespmem:s0], [sflag:$0x1], $0x80, v3, vm0, $0xb8;
	[tilespmem:$0x18100] =	vst v63  }
0x93: {  	v3 =	vld [tilespmem:$0x60];
	_ =	sdelay $0x4  }
0x94: {  	v54 =	vshrl.u32 v3, $0x3  }
0x95: {  	v4 =	vmul.u32 $0x30, v54  }
0x96: {  	v3 =	vand.u32 $0x7, v3  }
0x97: {  	v3 =	vor.u32 v3, v4  }
0x98: {  	v4 =	vperm.xlane v3, v0;
	_ =	sdelay $0x1  }
0x99: {  	v4 =	vadd.s32 v1, v4;
	_ =	sdelay $0x3  }
0x9a: {  	s0 =	simm.s32 $0x12100;
	v3 =	vperm.xlane v3, v2  }
0x9b: {  	[hbm4b:s3+s2] =	stream.indirect_vreg.scatter [tilespmem:s0], [sflag:$0x1], $0x80, v4, vm0, $0xb8;
	[tilespmem:$0x18100] =	vst v63  }
0x9c: {  	v3 =	vadd.s32 v1, v3;
	s0 =	simm.s32 $0x12900  }
0x9d: {  	[hbm4b:s4+s2] =	stream.indirect_vreg.scatter [tilespmem:s0], [sflag:$0x1], $0x80, v4, vm0, $0xb8;
	[tilespmem:$0x18100] =	vst v63  }
0x9e: {  	s0 =	simm.s32 $0x13100  }
0x9f: {  	[hbm4b:s5+s2] =	stream.indirect_vreg.scatter [tilespmem:s0], [sflag:$0x1], $0x80, v4, vm0, $0xb8;
	[tilespmem:$0x18100] =	vst v63  }
0xa0: {  	s0 =	simm.s32 $0x13900  }
0xa1: {  	[hbm4b:s3+s2] =	stream.indirect_vreg.scatter [tilespmem:s0], [sflag:$0x1], $0x80, v3, vm0, $0xb8;
	[tilespmem:$0x18100] =	vst v63  }
0xa2: {  	s0 =	simm.s32 $0x14100  }
0xa3: {  	[hbm4b:s4+s2] =	stream.indirect_vreg.scatter [tilespmem:s0], [sflag:$0x1], $0x80, v3, vm0, $0xb8;
	[tilespmem:$0x18100] =	vst v63  }
0xa4: {  	s0 =	simm.s32 $0x14900  }
0xa5: {  	[hbm4b:s5+s2] =	stream.indirect_vreg.scatter [tilespmem:s0], [sflag:$0x1], $0x80, v3, vm0, $0xb8;
	[tilespmem:$0x18100] =	vst v63  }
0xa6: {  	v3 =	vld [tilespmem:$0x70];
	_ =	sdelay $0x4  }
0xa7: {  	v55 =	vshrl.u32 v3, $0x3  }
0xa8: {  	v4 =	vmul.u32 $0x30, v55  }
0xa9: {  	v3 =	vand.u32 $0x7, v3  }
0xaa: {  	v3 =	vor.u32 v3, v4  }
0xab: {  	v4 =	vperm.xlane v3, v0;
	_ =	sdelay $0x1  }
0xac: {  	v4 =	vadd.s32 v1, v4;
	_ =	sdelay $0x3  }
0xad: {  	s0 =	simm.s32 $0x15100;
	v3 =	vperm.xlane v3, v2  }
0xae: {  	[hbm4b:s3+s2] =	stream.indirect_vreg.scatter [tilespmem:s0], [sflag:$0x1], $0x80, v4, vm0, $0xb8;
	[tilespmem:$0x18100] =	vst v63  }
0xaf: {  	v3 =	vadd.s32 v1, v3;
	s0 =	simm.s32 $0x15900  }
0xb0: {  	[hbm4b:s4+s2] =	stream.indirect_vreg.scatter [tilespmem:s0], [sflag:$0x1], $0x80, v4, vm0, $0xb8;
	[tilespmem:$0x18100] =	vst v63  }
0xb1: {  	s0 =	simm.s32 $0x16100  }
0xb2: {  	[hbm4b:s5+s2] =	stream.indirect_vreg.scatter [tilespmem:s0], [sflag:$0x1], $0x80, v4, vm0, $0xb8;
	[tilespmem:$0x18100] =	vst v63  }
0xb3: {  	s0 =	simm.s32 $0x16900  }
0xb4: {  	[hbm4b:s3+s2] =	stream.indirect_vreg.scatter [tilespmem:s0], [sflag:$0x1], $0x80, v3, vm0, $0xb8;
	[tilespmem:$0x18100] =	vst v63  }
0xb5: {  	s0 =	simm.s32 $0x17100  }
0xb6: {  	[hbm4b:s4+s2] =	stream.indirect_vreg.scatter [tilespmem:s0], [sflag:$0x1], $0x80, v3, vm0, $0xb8;
	[tilespmem:$0x18100] =	vst v63  }
0xb7: {  	s0 =	simm.s32 $0x17900  }
0xb8: {  	[hbm4b:s5+s2] =	stream.indirect_vreg.scatter [tilespmem:s0], [sflag:$0x1], $0x80, v3, vm0, $0xb8;
	[tilespmem:$0x18100] =	vst v63  }
0xb9: {  	v3 =	vld [tilespmem:$0x80];
	_ =	sdelay $0x4  }
0xba: {  	v56 =	vshrl.u32 v3, $0x3  }
0xbb: {  	v4 =	vmul.u32 $0x30, v56  }
0xbc: {  	v3 =	vand.u32 $0x7, v3  }
0xbd: {  	v3 =	vor.u32 v3, v4  }
0xbe: {  	v4 =	vperm.xlane v3, v0;
	_ =	sdelay $0x1  }
0xbf: {  	v4 =	vadd.s32 v1, v4;
	_ =	sdelay $0x3  }
0xc0: {  	v3 =	vperm.xlane v3, v2  }
0xc1: {  	[hbm4b:s3+s2] =	stream.indirect_vreg.scatter [tilespmem:s1], [sflag:$0x2], $0x80, v4, vm0, $0xb8;
	[tilespmem:$0x18100] =	vst v63  }
0xc2: {  	v3 =	vadd.s32 v1, v3  }
0xc3: {  	[hbm4b:s4+s2] =	stream.indirect_vreg.scatter [tilespmem:s10], [sflag:$0x2], $0x80, v4, vm0, $0xb8;
	[tilespmem:$0x18100] =	vst v63  }
0xc4: {  	_ = 	snop  }
0xc5: {  	[hbm4b:s5+s2] =	stream.indirect_vreg.scatter [tilespmem:s11], [sflag:$0x2], $0x80, v4, vm0, $0xb8;
	[tilespmem:$0x18100] =	vst v63  }
0xc6: {  	_ = 	snop  }
0xc7: {  	[hbm4b:s3+s2] =	stream.indirect_vreg.scatter [tilespmem:s12], [sflag:$0x2], $0x80, v3, vm0, $0xb8;
	[tilespmem:$0x18100] =	vst v63  }
0xc8: {  	_ = 	snop  }
0xc9: {  	[hbm4b:s4+s2] =	stream.indirect_vreg.scatter [tilespmem:s13], [sflag:$0x2], $0x80, v3, vm0, $0xb8;
	[tilespmem:$0x18100] =	vst v63  }
0xca: {  	_ = 	snop  }
0xcb: {  	[hbm4b:s5+s2] =	stream.indirect_vreg.scatter [tilespmem:s14], [sflag:$0x2], $0x80, v3, vm0, $0xb8;
	[tilespmem:$0x18100] =	vst v63  }
0xcc: {  	v3 =	vld [tilespmem:$0x90];
	_ =	sdelay $0x4  }
0xcd: {  	v57 =	vshrl.u32 v3, $0x3  }
0xce: {  	v4 =	vmul.u32 $0x30, v57  }
0xcf: {  	v3 =	vand.u32 $0x7, v3  }
0xd0: {  	v3 =	vor.u32 v3, v4  }
0xd1: {  	v4 =	vperm.xlane v3, v0;
	_ =	sdelay $0x1  }
0xd2: {  	v4 =	vadd.s32 v1, v4;
	_ =	sdelay $0x3  }
0xd3: {  	v3 =	vperm.xlane v3, v2  }
0xd4: {  	[hbm4b:s3+s2] =	stream.indirect_vreg.scatter [tilespmem:s15], [sflag:$0x2], $0x80, v4, vm0, $0xb8;
	[tilespmem:$0x18100] =	vst v63  }
0xd5: {  	v3 =	vadd.s32 v1, v3  }
0xd6: {  	[hbm4b:s4+s2] =	stream.indirect_vreg.scatter [tilespmem:s16], [sflag:$0x2], $0x80, v4, vm0, $0xb8;
	[tilespmem:$0x18100] =	vst v63  }
0xd7: {  	_ = 	snop  }
0xd8: {  	[hbm4b:s5+s2] =	stream.indirect_vreg.scatter [tilespmem:s17], [sflag:$0x2], $0x80, v4, vm0, $0xb8;
	[tilespmem:$0x18100] =	vst v63  }
0xd9: {  	_ = 	snop  }
0xda: {  	[hbm4b:s3+s2] =	stream.indirect_vreg.scatter [tilespmem:s18], [sflag:$0x2], $0x80, v3, vm0, $0xb8;
	[tilespmem:$0x18100] =	vst v63  }
0xdb: {  	_ = 	snop  }
0xdc: {  	[hbm4b:s4+s2] =	stream.indirect_vreg.scatter [tilespmem:s19], [sflag:$0x2], $0x80, v3, vm0, $0xb8;
	[tilespmem:$0x18100] =	vst v63  }
0xdd: {  	_ = 	snop  }
0xde: {  	[hbm4b:s5+s2] =	stream.indirect_vreg.scatter [tilespmem:s20], [sflag:$0x2], $0x80, v3, vm0, $0xb8;
	[tilespmem:$0x18100] =	vst v63  }
0xdf: {  	v3 =	vld [tilespmem:$0xA0];
	_ =	sdelay $0x4  }
0xe0: {  	v58 =	vshrl.u32 v3, $0x3  }
0xe1: {  	v4 =	vmul.u32 $0x30, v58  }
0xe2: {  	v3 =	vand.u32 $0x7, v3  }
0xe3: {  	v3 =	vor.u32 v3, v4  }
0xe4: {  	v4 =	vperm.xlane v3, v0;
	_ =	sdelay $0x1  }
0xe5: {  	v4 =	vadd.s32 v1, v4;
	_ =	sdelay $0x3  }
0xe6: {  	v3 =	vperm.xlane v3, v2  }
0xe7: {  	[hbm4b:s3+s2] =	stream.indirect_vreg.scatter [tilespmem:s21], [sflag:$0x2], $0x80, v4, vm0, $0xb8;
	[tilespmem:$0x18100] =	vst v63  }
0xe8: {  	v3 =	vadd.s32 v1, v3  }
0xe9: {  	[hbm4b:s4+s2] =	stream.indirect_vreg.scatter [tilespmem:s22], [sflag:$0x2], $0x80, v4, vm0, $0xb8;
	[tilespmem:$0x18100] =	vst v63  }
0xea: {  	_ = 	snop  }
0xeb: {  	[hbm4b:s5+s2] =	stream.indirect_vreg.scatter [tilespmem:s23], [sflag:$0x2], $0x80, v4, vm0, $0xb8;
	[tilespmem:$0x18100] =	vst v63  }
0xec: {  	_ = 	snop  }
0xed: {  	[hbm4b:s3+s2] =	stream.indirect_vreg.scatter [tilespmem:s24], [sflag:$0x2], $0x80, v3, vm0, $0xb8;
	[tilespmem:$0x18100] =	vst v63  }
0xee: {  	_ = 	snop  }
0xef: {  	[hbm4b:s4+s2] =	stream.indirect_vreg.scatter [tilespmem:s25], [sflag:$0x2], $0x80, v3, vm0, $0xb8;
	[tilespmem:$0x18100] =	vst v63  }
0xf0: {  	_ = 	snop  }
0xf1: {  	[hbm4b:s5+s2] =	stream.indirect_vreg.scatter [tilespmem:s26], [sflag:$0x2], $0x80, v3, vm0, $0xb8;
	[tilespmem:$0x18100] =	vst v63  }
0xf2: {  	v3 =	vld [tilespmem:$0xB0];
	_ =	sdelay $0x4  }
0xf3: {  	v59 =	vshrl.u32 v3, $0x3  }
0xf4: {  	v4 =	vmul.u32 $0x30, v59  }
0xf5: {  	v3 =	vand.u32 $0x7, v3  }
0xf6: {  	v3 =	vor.u32 v3, v4  }
0xf7: {  	v4 =	vperm.xlane v3, v0;
	_ =	sdelay $0x1  }
0xf8: {  	v4 =	vadd.s32 v1, v4;
	_ =	sdelay $0x3  }
0xf9: {  	v3 =	vperm.xlane v3, v2  }
0xfa: {  	[hbm4b:s3+s2] =	stream.indirect_vreg.scatter [tilespmem:s28], [sflag:$0x2], $0x80, v4, vm0, $0xb8;
	[tilespmem:$0x18100] =	vst v63  }
0xfb: {  	v3 =	vadd.s32 v1, v3  }
0xfc: {  	[hbm4b:s4+s2] =	stream.indirect_vreg.scatter [tilespmem:s29], [sflag:$0x2], $0x80, v4, vm0, $0xb8;
	[tilespmem:$0x18100] =	vst v63  }
0xfd: {  	_ = 	snop  }
0xfe: {  	[hbm4b:s5+s2] =	stream.indirect_vreg.scatter [tilespmem:s30], [sflag:$0x2], $0x80, v4, vm0, $0xb8;
	[tilespmem:$0x18100] =	vst v63  }
0xff: {  	_ = 	snop  }
0x100: {  	[hbm4b:s3+s2] =	stream.indirect_vreg.scatter [tilespmem:s31], [sflag:$0x2], $0x80, v3, vm0, $0xb8;
	[tilespmem:$0x18100] =	vst v63  }
0x101: {  	s10 =	simm.s32 $0xB100  }
0x102: {  	[hbm4b:s4+s2] =	stream.indirect_vreg.scatter [tilespmem:s10], [sflag:$0x2], $0x80, v3, vm0, $0xb8;
	[tilespmem:$0x18100] =	vst v63  }
0x103: {  	_ = 	snop  }
0x104: {  	[hbm4b:s5+s2] =	stream.indirect_vreg.scatter [tilespmem:s8], [sflag:$0x2], $0x80, v3, vm0, $0xb8;
	[tilespmem:$0x18100] =	vst v63  }
0x105: {  	v3 =	vld [tilespmem:$0xC0];
	_ =	sdelay $0x4  }
0x106: {  	v60 =	vshrl.u32 v3, $0x3  }
0x107: {  	v4 =	vmul.u32 $0x30, v60  }
0x108: {  	v3 =	vand.u32 $0x7, v3  }
0x109: {  	v3 =	vor.u32 v3, v4  }
0x10a: {  	v4 =	vperm.xlane v3, v0;
	_ =	sdelay $0x1  }
0x10b: {  	v4 =	vadd.s32 v1, v4;
	_ =	sdelay $0x3  }
0x10c: {  	v3 =	vperm.xlane v3, v2  }
0x10d: {  	[hbm4b:s3+s2] =	stream.indirect_vreg.scatter [tilespmem:s9], [sflag:$0x2], $0x80, v4, vm0, $0xb8;
	[tilespmem:$0x18100] =	vst v63  }
0x10e: {  	s11 =	simm.s32 $0xC900;
	v3 =	vadd.s32 v1, v3  }
0x10f: {  	[hbm4b:s4+s2] =	stream.indirect_vreg.scatter [tilespmem:s11], [sflag:$0x2], $0x80, v4, vm0, $0xb8;
	[tilespmem:$0x18100] =	vst v63  }
0x110: {  	s10 =	simm.s32 $0xD100  }
0x111: {  	[hbm4b:s5+s2] =	stream.indirect_vreg.scatter [tilespmem:s10], [sflag:$0x2], $0x80, v4, vm0, $0xb8;
	[tilespmem:$0x18100] =	vst v63  }
0x112: {  	s11 =	simm.s32 $0xD900  }
0x113: {  	[hbm4b:s3+s2] =	stream.indirect_vreg.scatter [tilespmem:s11], [sflag:$0x2], $0x80, v3, vm0, $0xb8;
	[tilespmem:$0x18100] =	vst v63  }
0x114: {  	s10 =	simm.s32 $0xE100  }
0x115: {  	[hbm4b:s4+s2] =	stream.indirect_vreg.scatter [tilespmem:s10], [sflag:$0x2], $0x80, v3, vm0, $0xb8;
	[tilespmem:$0x18100] =	vst v63  }
0x116: {  	s11 =	simm.s32 $0xE900  }
0x117: {  	[hbm4b:s5+s2] =	stream.indirect_vreg.scatter [tilespmem:s11], [sflag:$0x2], $0x80, v3, vm0, $0xb8;
	[tilespmem:$0x18100] =	vst v63  }
0x118: {  	v3 =	vld [tilespmem:$0xD0];
	_ =	sdelay $0x4  }
0x119: {  	v61 =	vshrl.u32 v3, $0x3  }
0x11a: {  	v4 =	vmul.u32 $0x30, v61  }
0x11b: {  	v3 =	vand.u32 $0x7, v3  }
0x11c: {  	v3 =	vor.u32 v3, v4  }
0x11d: {  	v4 =	vperm.xlane v3, v0;
	_ =	sdelay $0x1  }
0x11e: {  	v4 =	vadd.s32 v1, v4;
	_ =	sdelay $0x3  }
0x11f: {  	s10 =	simm.s32 $0xF100;
	v3 =	vperm.xlane v3, v2  }
0x120: {  	[hbm4b:s3+s2] =	stream.indirect_vreg.scatter [tilespmem:s10], [sflag:$0x2], $0x80, v4, vm0, $0xb8;
	[tilespmem:$0x18100] =	vst v63  }
0x121: {  	s11 =	simm.s32 $0xF900;
	v3 =	vadd.s32 v1, v3  }
0x122: {  	[hbm4b:s4+s2] =	stream.indirect_vreg.scatter [tilespmem:s11], [sflag:$0x2], $0x80, v4, vm0, $0xb8;
	[tilespmem:$0x18100] =	vst v63  }
0x123: {  	s10 =	simm.s32 $0x10100  }
0x124: {  	[hbm4b:s5+s2] =	stream.indirect_vreg.scatter [tilespmem:s10], [sflag:$0x2], $0x80, v4, vm0, $0xb8;
	[tilespmem:$0x18100] =	vst v63  }
0x125: {  	s11 =	simm.s32 $0x10900  }
0x126: {  	[hbm4b:s3+s2] =	stream.indirect_vreg.scatter [tilespmem:s11], [sflag:$0x2], $0x80, v3, vm0, $0xb8;
	[tilespmem:$0x18100] =	vst v63  }
0x127: {  	s10 =	simm.s32 $0x11100  }
0x128: {  	[hbm4b:s4+s2] =	stream.indirect_vreg.scatter [tilespmem:s10], [sflag:$0x2], $0x80, v3, vm0, $0xb8;
	[tilespmem:$0x18100] =	vst v63  }
0x129: {  	s11 =	simm.s32 $0x11900  }
0x12a: {  	[hbm4b:s5+s2] =	stream.indirect_vreg.scatter [tilespmem:s11], [sflag:$0x2], $0x80, v3, vm0, $0xb8;
	[tilespmem:$0x18100] =	vst v63  }
0x12b: {  	v3 =	vld [tilespmem:$0xE0];
	_ =	sdelay $0x4  }
0x12c: {  	v62 =	vshrl.u32 v3, $0x3  }
0x12d: {  	v4 =	vmul.u32 $0x30, v62  }
0x12e: {  	v3 =	vand.u32 $0x7, v3  }
0x12f: {  	v3 =	vor.u32 v3, v4  }
0x130: {  	v4 =	vperm.xlane v3, v0;
	_ =	sdelay $0x1  }
0x131: {  	v4 =	vadd.s32 v1, v4;
	_ =	sdelay $0x3  }
0x132: {  	s10 =	simm.s32 $0x12100;
	v3 =	vperm.xlane v3, v2  }
0x133: {  	[hbm4b:s3+s2] =	stream.indirect_vreg.scatter [tilespmem:s10], [sflag:$0x2], $0x80, v4, vm0, $0xb8;
	[tilespmem:$0x18100] =	vst v63  }
0x134: {  	s11 =	simm.s32 $0x12900;
	v3 =	vadd.s32 v1, v3  }
0x135: {  	[hbm4b:s4+s2] =	stream.indirect_vreg.scatter [tilespmem:s11], [sflag:$0x2], $0x80, v4, vm0, $0xb8;
	[tilespmem:$0x18100] =	vst v63  }
0x136: {  	s10 =	simm.s32 $0x13100  }
0x137: {  	[hbm4b:s5+s2] =	stream.indirect_vreg.scatter [tilespmem:s10], [sflag:$0x2], $0x80, v4, vm0, $0xb8;
	[tilespmem:$0x18100] =	vst v63  }
0x138: {  	s11 =	simm.s32 $0x13900  }
0x139: {  	[hbm4b:s3+s2] =	stream.indirect_vreg.scatter [tilespmem:s11], [sflag:$0x2], $0x80, v3, vm0, $0xb8;
	[tilespmem:$0x18100] =	vst v63  }
0x13a: {  	s10 =	simm.s32 $0x14100  }
0x13b: {  	[hbm4b:s4+s2] =	stream.indirect_vreg.scatter [tilespmem:s10], [sflag:$0x2], $0x80, v3, vm0, $0xb8;
	[tilespmem:$0x18100] =	vst v63  }
0x13c: {  	s11 =	simm.s32 $0x14900  }
0x13d: {  	[hbm4b:s5+s2] =	stream.indirect_vreg.scatter [tilespmem:s11], [sflag:$0x2], $0x80, v3, vm0, $0xb8;
	[tilespmem:$0x18100] =	vst v63  }
0x13e: {  	v3 =	vld [tilespmem:$0xF0];
	_ =	sdelay $0x4  }
0x13f: {  	v63 =	vshrl.u32 v3, $0x3  }
0x140: {  	v4 =	vmul.u32 $0x30, v63  }
0x141: {  	v3 =	vand.u32 $0x7, v3  }
0x142: {  	v3 =	vor.u32 v3, v4  }
0x143: {  	v4 =	vperm.xlane v3, v0;
	_ =	sdelay $0x1  }
0x144: {  	v4 =	vadd.s32 v1, v4;
	_ =	sdelay $0x3  }
0x145: {  	s10 =	simm.s32 $0x15100;
	v3 =	vperm.xlane v3, v2  }
0x146: {  	[hbm4b:s3+s2] =	stream.indirect_vreg.scatter [tilespmem:s10], [sflag:$0x2], $0x80, v4, vm0, $0xb8;
	[tilespmem:$0x18100] =	vst v63  }
0x147: {  	s11 =	simm.s32 $0x15900;
	v3 =	vadd.s32 v1, v3  }
0x148: {  	[hbm4b:s4+s2] =	stream.indirect_vreg.scatter [tilespmem:s11], [sflag:$0x2], $0x80, v4, vm0, $0xb8;
	[tilespmem:$0x18100] =	vst v63  }
0x149: {  	s10 =	simm.s32 $0x16100  }
0x14a: {  	[hbm4b:s5+s2] =	stream.indirect_vreg.scatter [tilespmem:s10], [sflag:$0x2], $0x80, v4, vm0, $0xb8;
	[tilespmem:$0x18100] =	vst v63  }
0x14b: {  	s11 =	simm.s32 $0x16900  }
0x14c: {  	[hbm4b:s3+s2] =	stream.indirect_vreg.scatter [tilespmem:s11], [sflag:$0x2], $0x80, v3, vm0, $0xb8;
	[tilespmem:$0x18100] =	vst v63  }
0x14d: {  	s10 =	simm.s32 $0x17100  }
0x14e: {  	[hbm4b:s4+s2] =	stream.indirect_vreg.scatter [tilespmem:s10], [sflag:$0x2], $0x80, v3, vm0, $0xb8;
	[tilespmem:$0x18100] =	vst v63  }
0x14f: {  	s11 =	simm.s32 $0x17900;
	s10 =	simm.s32 $0x1  }
0x150: {  	[hbm4b:s5+s2] =	stream.indirect_vreg.scatter [tilespmem:s11], [sflag:$0x2], $0x80, v3, vm0, $0xb8;
	[tilespmem:$0x18100] =	vst v63  }
0x151: {  	p0 =	sne.s32 s6, $0x1;
	_ =	swait.ge [sflag:s10], $0x18000  }
.Ltmp0:
0x152: {  	[sflag:s10] =	ssyncset.done $0x0;
	(pc) =	sbr.rel @p0 .LBB2_1-.Ltmp0, $4  }
0x153: {  	s11 =	simm.s32 $0x2;
	[sflag:s10] =	ssyncadd.s32 $0xFFFE8000  }
0x154: {  	_ =	swait.ge [sflag:s11], $0x18000  }
0x155: {  	[sflag:s11] =	ssyncset.done $0x0  }
0x156: {  	s6 =	sadd.s32 $0xFFFFFFFF, s6;
	[sflag:s11] =	ssyncadd.s32 $0xFFFE8000  }
0x157: {  	_ =	sfence.sel $0x180000  }
0x158: {  	[bflag:$0x0] =	sbarrier.arrive $0xFFFF  }
0x159: {  	_ =	strace $0x90000047  }
0x15a: {  	s0 =	stileid.u32;
	[bflag:$0x2] =	sbarrier.arrive $0xFFFF  }
0x15b: {  	p0 =	sne.s32 s0, $0x0;
	s0 =	rddreg [dreg:$0x3]  }
0x15c: {  	s0 =	sadd.s32 @!p0 $0x100000, s0  }
0x15d: {  	[sflag:s0] =	ssyncadd.tile.s32 @!p0 $0x1;
	_ =	shalt  }
.Lfunc_end2:
_tile_overlayer_lowered:
.L_overlay_start_2:
0x15e: {  	(tag) =	ssettag $0x2  }
0x15f: {  	s0 =	rddreg [dreg:$0x0];
	s2 =	stileid.u32  }
0x160: {  	s1 =	rddreg [dreg:$0x1];
	p0 =	sne.s32 s2, $0x0  }
0x161: {  	s3 =	rddreg [dreg:$0x2];
	[bflag:$0x3] =	sbarrier.arrive $0xFFFF;
	s2 =	simm.s32 @!p0 $0x1C03  }
0x162: {  	[timem:s3], [sflag:s2] =	dma.local @!p0 [hbm:s0], s1  }
0x163: {  	s0 =	simm.s32 @!p0 $0x3  }
0x164: {  	_ =	swait.ge @!p0 [sflag:s0], s1  }
0x165: {  	s1 =	ssub.s32 @!p0 $0x0, s1;
	[sflag:s0] =	ssyncset.done @!p0 $0x0  }
0x166: {  	[sflag:s0] =	ssyncadd.s32 @!p0 s1  }
0x167: {  	[bflag:$0x3] =	sbarrier.arrive $0xFFFF  }
0x168: {  	_ =	shalt  }

</sc_bundles>
